<compile_context>
chip_gen: v7x
topology: tpu7x:2x2x1
jax: 0.10.2.dev20260603
libtpu: 0.0.44.dev20260713+nightly
codegen_flags: <defaults>
</compile_context>

<pallas_src>
import jax
import jax.numpy as jnp
import numpy as np
from jax import lax
from jax.experimental import pallas as pl
from jax.experimental.pallas import tpu as pltpu
from jax.experimental.pallas import tpu_sc as plsc

N_NODES = 10000
IN_CH = 128
OUT_CH = 16
HEADS = 8
FEAT = HEADS * OUT_CH
ZW = 160
PW = 80
AW = 144

NC = 2
NS = 16
NW = NC * NS

EDGE_K = 100
CHUNKS = 100
PHASE = 50
DRAIN = (100, 100, 100, 100, 100, 100, 25)

_JREP8 = np.repeat(np.eye(HEADS, dtype=np.float32), OUT_CH, axis=0)
_JFULL = np.zeros((FEAT, ZW), np.float32)
_JFULL[:, :FEAT] = np.repeat(_JREP8, OUT_CH, axis=1)
_JFULL[:, FEAT:FEAT + HEADS] = _JREP8
_RMAT = np.repeat(np.eye(HEADS, dtype=np.float32), OUT_CH, axis=1)


def _proj_body(x_ref, w_ref, af_ref, j_ref, z_ref):
    xp = jnp.dot(x_ref[...], w_ref[...], preferred_element_type=jnp.float32)
    m = xp * af_ref[...]
    e = jnp.exp(jnp.dot(m, j_ref[...], preferred_element_type=jnp.float32))
    b = jnp.concatenate(
        [xp, jnp.ones((xp.shape[0], ZW - FEAT), jnp.float32)], axis=1)
    z = b * e
    lo = z[:, :PW].astype(jnp.bfloat16).astype(jnp.float32)
    hi = z[:, PW:].astype(jnp.bfloat16).astype(jnp.float32)
    lo_b = jax.lax.bitcast_convert_type(lo, jnp.int32)
    hi_b = jax.lax.bitcast_convert_type(hi, jnp.int32)
    z_ref[...] = jax.lax.shift_right_logical(lo_b, 16) | (
        hi_b & jnp.int32(-65536))


def _combine_body(p_ref, r_ref, o_ref):
    t = p_ref[0] + p_ref[1]
    u = t[:, :FEAT]
    s = t[:, FEAT:FEAT + HEADS]
    srep = jnp.dot(s, r_ref[...], preferred_element_type=jnp.float32)
    o_ref[...] = u / (srep + 1e-16)


def _edge_body(z_hbm, row_hbm, col_hbm, out_hbm, accum_ref):
    cid = lax.axis_index("c")
    sid = lax.axis_index("s")
    wid = cid * NS + sid

    def scoped(row_v, col_v, bb_a, bb_b, fbuf, gs_a, gs_b, ss):
        def zrow(i, _):
            for o in range(AW // 16):
                fbuf[i, pl.ds(o * 16, 16)] = jnp.zeros((16,), jnp.float32)
            return 0
        lax.fori_loop(0, EDGE_K, zrow, 0)
        rows_per_tile = N_NODES // NS
        r0 = sid * rows_per_tile
        for n in DRAIN:
            pltpu.sync_copy(fbuf.at[pl.ds(0, n)], accum_ref.at[pl.ds(r0, n)])
            r0 += n
        plsc.subcore_barrier()

        def convert(bb):
            def crow(r2, _):
                for u in range(2):
                    r = 2 * r2 + u
                    for g in range(5):
                        w = bb[r, pl.ds(g * 16, 16)]
                        lo = jax.lax.bitcast_convert_type(
                            jnp.left_shift(w, 16), jnp.float32)
                        fbuf[r, pl.ds(g * 16, 16)] = lo
                        if g < 4:
                            hi = jax.lax.bitcast_convert_type(
                                jnp.bitwise_and(w, jnp.int32(-65536)), jnp.float32)
                            fbuf[r, pl.ds(PW + g * 16, 16)] = hi
                return 0
            lax.fori_loop(0, EDGE_K // 2, crow, 0)

        def phase(ph, _):
            base = wid * CHUNKS + ph * PHASE
            pltpu.sync_copy(row_hbm.at[pl.ds(base, PHASE)], row_v)
            pltpu.sync_copy(col_hbm.at[pl.ds(base, PHASE)], col_v)
            pltpu.async_copy(z_hbm.at[row_v.at[0]], bb_a, gs_a)

            def group(g, _):
                j0 = 2 * g
                pltpu.make_async_copy(z_hbm.at[row_v.at[j0]], bb_a, gs_a).wait()
                pltpu.async_copy(z_hbm.at[row_v.at[j0 + 1]], bb_b, gs_b)

                @pl.when(g > 0)
                def _():
                    pltpu.make_async_copy(
                        fbuf, accum_ref.at[col_v.at[j0 - 1]], ss).wait()

                convert(bb_a)
                pltpu.async_copy(fbuf, accum_ref.at[col_v.at[j0]], ss, add=True)
                pltpu.make_async_copy(z_hbm.at[row_v.at[j0 + 1]], bb_b, gs_b).wait()

                @pl.when(g < PHASE // 2 - 1)
                def _():
                    pltpu.async_copy(z_hbm.at[row_v.at[j0 + 2]], bb_a, gs_a)

                pltpu.make_async_copy(
                    fbuf, accum_ref.at[col_v.at[j0]], ss).wait()
                convert(bb_b)
                pltpu.async_copy(fbuf, accum_ref.at[col_v.at[j0 + 1]], ss, add=True)
                return 0
            lax.fori_loop(0, PHASE // 2, group, 0)
            pltpu.make_async_copy(
                fbuf, accum_ref.at[col_v.at[PHASE - 1]], ss).wait()
            return 0
        lax.fori_loop(0, CHUNKS // PHASE, phase, 0)
        plsc.subcore_barrier()

        r0 = sid * rows_per_tile
        for n in DRAIN:
            pltpu.sync_copy(accum_ref.at[pl.ds(r0, n)], fbuf.at[pl.ds(0, n)])
            pltpu.sync_copy(fbuf.at[pl.ds(0, n)], out_hbm.at[cid, pl.ds(r0, n)])
            r0 += n

    pl.run_scoped(
        scoped,
        pltpu.VMEM((PHASE, EDGE_K), jnp.int32),
        pltpu.VMEM((PHASE, EDGE_K), jnp.int32),
        pltpu.VMEM((EDGE_K, PW), jnp.int32),
        pltpu.VMEM((EDGE_K, PW), jnp.int32),
        pltpu.VMEM((EDGE_K, AW), jnp.float32),
        pltpu.SemaphoreType.DMA,
        pltpu.SemaphoreType.DMA,
        pltpu.SemaphoreType.DMA,
    )


def kernel(x, edge_index, W, a_src, a_dst):
    row = edge_index[0].astype(jnp.int32).reshape(-1, EDGE_K)
    col = edge_index[1].astype(jnp.int32).reshape(-1, EDGE_K)
    a_flat = a_src.reshape(1, FEAT)

    blk = 1000
    grid = N_NODES // blk
    z = pl.pallas_call(
        _proj_body,
        grid=(grid,),
        in_specs=[
            pl.BlockSpec((blk, IN_CH), lambda i: (i, 0)),
            pl.BlockSpec((IN_CH, FEAT), lambda i: (0, 0)),
            pl.BlockSpec((1, FEAT), lambda i: (0, 0)),
            pl.BlockSpec((IN_CH, ZW), lambda i: (0, 0)),
        ],
        out_specs=pl.BlockSpec((blk, PW), lambda i: (i, 0)),
        out_shape=jax.ShapeDtypeStruct((N_NODES, PW), jnp.int32),
    )(x, W, a_flat, jnp.asarray(_JFULL))

    mesh = plsc.VectorSubcoreMesh(
        core_axis_name="c", subcore_axis_name="s", num_cores=NC, num_subcores=NS)
    edge_k = pl.kernel(
        _edge_body,
        out_type=jax.ShapeDtypeStruct((NC, N_NODES, AW), jnp.float32),
        mesh=mesh,
        scratch_types=[
            pltpu.VMEM_SHARED((N_NODES, AW), jnp.float32),
        ],
        compiler_params=pltpu.CompilerParams(use_tc_tiling_on_sc=False),
    )
    partials = edge_k(z, row, col)

    out = pl.pallas_call(
        _combine_body,
        grid=(grid,),
        in_specs=[
            pl.BlockSpec((NC, blk, AW), lambda i: (0, i, 0)),
            pl.BlockSpec((HEADS, FEAT), lambda i: (0, 0)),
        ],
        out_specs=pl.BlockSpec((blk, FEAT), lambda i: (i, 0)),
        out_shape=jax.ShapeDtypeStruct((N_NODES, FEAT), jnp.float32),
    )(partials, jnp.asarray(_RMAT))
    return out

# --- scband reference (transcript-rebuilt; emitter-appended) ---
"""Pipeline reference for scband-my-gatlayer-8452495638870 (READ-ONLY COPY).

The authoritative reference and input builder live on the scoring server;
editing this copy changes nothing except your own understanding.
"""

import jax, jax.numpy as jnp
import numpy as np

N_NODES = 10000
N_EDGES = 320000
IN_CH = 128
OUT_CH = 16
HEADS = 8


def setup_inputs(seed: int = 0) -> dict:
    key = jax.random.key(seed)
    k1, k2, k3, k4, k5 = jax.random.split(key, 5)
    x = jax.random.normal(k1, (N_NODES, IN_CH), dtype=jnp.float32)
    edge_index = jax.random.randint(k2, (2, N_EDGES), 0, N_NODES, dtype=jnp.int64)
    # xavier_uniform for W [in, heads*out]
    limit_W = float(np.sqrt(6.0 / (IN_CH + HEADS * OUT_CH)))
    W = jax.random.uniform(k3, (IN_CH, HEADS * OUT_CH), minval=-limit_W, maxval=limit_W, dtype=jnp.float32)
    limit_a = float(np.sqrt(6.0 / (HEADS + OUT_CH)))
    a_src = jax.random.uniform(k4, (HEADS, OUT_CH), minval=-limit_a, maxval=limit_a, dtype=jnp.float32)
    a_dst = jax.random.uniform(k5, (HEADS, OUT_CH), minval=-limit_a, maxval=limit_a, dtype=jnp.float32)
    return {"x": x, "edge_index": edge_index, "W": W, "a_src": a_src, "a_dst": a_dst}


def reference(x, edge_index, W, a_src, a_dst):
    N = x.shape[0]
    x_proj = (x @ W).reshape(N, HEADS, OUT_CH)  # [N, H, C]
    alpha_src = (x_proj * a_src[None, :, :]).sum(axis=2)  # [N, H]
    alpha_dst = (x_proj * a_dst[None, :, :]).sum(axis=2)  # [N, H]
    row = edge_index[0]
    col = edge_index[1]
    e = alpha_src[row] + alpha_dst[col]  # [E, H]
    # sort edges by destination (col) as in the torch module
    idx = jnp.argsort(col)
    row = row[idx]
    col = col[idx]
    e = e[idx]
    # segment softmax over dst segments
    max_val = jax.ops.segment_max(e, col, num_segments=N)  # [N, H]
    e_exp = jnp.exp(e - max_val[col])
    sum_val = jax.ops.segment_sum(e_exp, col, num_segments=N)  # [N, H]
    att = e_exp / (sum_val[col] + 1e-16)  # [E, H]
    V_src = x_proj[row]  # [E, H, C]
    out_feat = att[:, :, None] * V_src  # [E, H, C]
    out_sum = jax.ops.segment_sum(out_feat, col, num_segments=N)  # [N, H, C]
    out = out_sum.reshape(N, HEADS * OUT_CH)
    # dropout p=0.0 -> identity
    return out

if __name__ == "__main__":
    import jax
    _d = setup_inputs()
    print(jax.jit(kernel)(*tuple(_d.values())))

</pallas_src>

<mosaic_0001>
#map = affine_map<(d0, d1) -> (0, 0)>
#map1 = affine_map<(d0, d1) -> (0, 0, 0)>
module attributes {stable_mosaic.version = 14 : i64} {
  func.func @_edge_body(%arg0: i32, %arg1: i32, %arg2: memref<10000x80xi32, #tpu.memory_space<hbm>>, %arg3: memref<3200x100xi32, #tpu.memory_space<hbm>>, %arg4: memref<3200x100xi32, #tpu.memory_space<hbm>>, %arg5: memref<2x10000x144xf32, #tpu.memory_space<hbm>>, %arg6: memref<10000x144xf32, #tpu.memory_space<vmem_shared>>) attributes {dimension_semantics = [#tpu.dimension_semantics<core_parallel>, #tpu.dimension_semantics<subcore_parallel>], iteration_bounds = array<i64: 2, 16>, scalar_prefetch = 0 : i64, scratch_operands = 1 : i64, tpu.core_type = #tpu.core_type<sc_vector_subcore>, window_params = [{transform_indices = #map}, {transform_indices = #map}, {transform_indices = #map}, {transform_indices = #map1}]} {
    %mul3A = arith.constant 16 : i32
    %mul3A_0 = arith.muli %arg0, %mul3A : i32
    %add3A = arith.addi %mul3A_0, %arg1 : i32
    "tpu.region"() ({
      %run_scoped3A = memref.alloca() : memref<50x100xi32, #tpu.memory_space<vmem>>
      %run_scoped3A_1 = memref.alloca() : memref<50x100xi32, #tpu.memory_space<vmem>>
      %run_scoped3A_2 = memref.alloca() : memref<100x80xi32, #tpu.memory_space<vmem>>
      %run_scoped3A_3 = memref.alloca() : memref<100x80xi32, #tpu.memory_space<vmem>>
      %run_scoped3A_4 = memref.alloca() : memref<100x144xf32, #tpu.memory_space<vmem>>
      %run_scoped3A_5 = tpu.sem_alloc : memref<!tpu.dma_semaphore, #tpu.memory_space<semaphore_mem>>
      %run_scoped3A_6 = tpu.sem_alloc : memref<!tpu.dma_semaphore, #tpu.memory_space<semaphore_mem>>
      %run_scoped3A_7 = tpu.sem_alloc : memref<!tpu.dma_semaphore, #tpu.memory_space<semaphore_mem>>
      %scan3A = arith.constant 0 : i32
      %scan3A_8 = arith.constant 0 : i32
      %scan3A_9 = arith.constant 100 : i32
      %scan3A_10 = arith.addi %scan3A_8, %scan3A_9 : i32
      %scan3A_11 = arith.constant 1 : i32
      %scan3A_12 = scf.for %scan3A_54 = %scan3A_8 to %scan3A_10 step %scan3A_11 iter_args(%scan3A_55 = %scan3A) -> (i32)  : i32 {
        %broadcast_in_dim3A = arith.constant 0.000000e+00 : f32
        %broadcast_in_dim3A_56 = vector.broadcast %broadcast_in_dim3A : f32 to vector<16xf32>
        %swap3A = arith.index_cast %scan3A_54 : i32 to index
        %swap3A_57 = arith.constant 0 : index
        %swap3A_58 = tpu.vector_load %run_scoped3A_4[%swap3A, %swap3A_57] {strides = array<i32>} : memref<100x144xf32, #tpu.memory_space<vmem>>, vector<1x16xf32>,
        %swap3A_59 = vector.shape_cast %swap3A_58 : vector<1x16xf32> to vector<16xf32>
        %swap3A_60 = vector.shape_cast %broadcast_in_dim3A_56 : vector<16xf32> to vector<1x16xf32>
        tpu.vector_store %run_scoped3A_4[%swap3A, %swap3A_57], %swap3A_60 {strides = array<i32>} : memref<100x144xf32, #tpu.memory_space<vmem>>, vector<1x16xf32>,
        %broadcast_in_dim3A_61 = arith.constant 0.000000e+00 : f32
        %broadcast_in_dim3A_62 = vector.broadcast %broadcast_in_dim3A_61 : f32 to vector<16xf32>
        %swap3A_63 = arith.index_cast %scan3A_54 : i32 to index
        %swap3A_64 = arith.constant 16 : index
        %swap3A_65 = tpu.vector_load %run_scoped3A_4[%swap3A_63, %swap3A_64] {strides = array<i32>} : memref<100x144xf32, #tpu.memory_space<vmem>>, vector<1x16xf32>,
        %swap3A_66 = vector.shape_cast %swap3A_65 : vector<1x16xf32> to vector<16xf32>
        %swap3A_67 = vector.shape_cast %broadcast_in_dim3A_62 : vector<16xf32> to vector<1x16xf32>
        tpu.vector_store %run_scoped3A_4[%swap3A_63, %swap3A_64], %swap3A_67 {strides = array<i32>} : memref<100x144xf32, #tpu.memory_space<vmem>>, vector<1x16xf32>,
        %broadcast_in_dim3A_68 = arith.constant 0.000000e+00 : f32
        %broadcast_in_dim3A_69 = vector.broadcast %broadcast_in_dim3A_68 : f32 to vector<16xf32>
        %swap3A_70 = arith.index_cast %scan3A_54 : i32 to index
        %swap3A_71 = arith.constant 32 : index
        %swap3A_72 = tpu.vector_load %run_scoped3A_4[%swap3A_70, %swap3A_71] {strides = array<i32>} : memref<100x144xf32, #tpu.memory_space<vmem>>, vector<1x16xf32>,
        %swap3A_73 = vector.shape_cast %swap3A_72 : vector<1x16xf32> to vector<16xf32>
        %swap3A_74 = vector.shape_cast %broadcast_in_dim3A_69 : vector<16xf32> to vector<1x16xf32>
        tpu.vector_store %run_scoped3A_4[%swap3A_70, %swap3A_71], %swap3A_74 {strides = array<i32>} : memref<100x144xf32, #tpu.memory_space<vmem>>, vector<1x16xf32>,
        %broadcast_in_dim3A_75 = arith.constant 0.000000e+00 : f32
        %broadcast_in_dim3A_76 = vector.broadcast %broadcast_in_dim3A_75 : f32 to vector<16xf32>
        %swap3A_77 = arith.index_cast %scan3A_54 : i32 to index
        %swap3A_78 = arith.constant 48 : index
        %swap3A_79 = tpu.vector_load %run_scoped3A_4[%swap3A_77, %swap3A_78] {strides = array<i32>} : memref<100x144xf32, #tpu.memory_space<vmem>>, vector<1x16xf32>,
        %swap3A_80 = vector.shape_cast %swap3A_79 : vector<1x16xf32> to vector<16xf32>
        %swap3A_81 = vector.shape_cast %broadcast_in_dim3A_76 : vector<16xf32> to vector<1x16xf32>
        tpu.vector_store %run_scoped3A_4[%swap3A_77, %swap3A_78], %swap3A_81 {strides = array<i32>} : memref<100x144xf32, #tpu.memory_space<vmem>>, vector<1x16xf32>,
        %broadcast_in_dim3A_82 = arith.constant 0.000000e+00 : f32
        %broadcast_in_dim3A_83 = vector.broadcast %broadcast_in_dim3A_82 : f32 to vector<16xf32>
        %swap3A_84 = arith.index_cast %scan3A_54 : i32 to index
        %swap3A_85 = arith.constant 64 : index
        %swap3A_86 = tpu.vector_load %run_scoped3A_4[%swap3A_84, %swap3A_85] {strides = array<i32>} : memref<100x144xf32, #tpu.memory_space<vmem>>, vector<1x16xf32>,
        %swap3A_87 = vector.shape_cast %swap3A_86 : vector<1x16xf32> to vector<16xf32>
        %swap3A_88 = vector.shape_cast %broadcast_in_dim3A_83 : vector<16xf32> to vector<1x16xf32>
        tpu.vector_store %run_scoped3A_4[%swap3A_84, %swap3A_85], %swap3A_88 {strides = array<i32>} : memref<100x144xf32, #tpu.memory_space<vmem>>, vector<1x16xf32>,
        %broadcast_in_dim3A_89 = arith.constant 0.000000e+00 : f32
        %broadcast_in_dim3A_90 = vector.broadcast %broadcast_in_dim3A_89 : f32 to vector<16xf32>
        %swap3A_91 = arith.index_cast %scan3A_54 : i32 to index
        %swap3A_92 = arith.constant 80 : index
        %swap3A_93 = tpu.vector_load %run_scoped3A_4[%swap3A_91, %swap3A_92] {strides = array<i32>} : memref<100x144xf32, #tpu.memory_space<vmem>>, vector<1x16xf32>,
        %swap3A_94 = vector.shape_cast %swap3A_93 : vector<1x16xf32> to vector<16xf32>
        %swap3A_95 = vector.shape_cast %broadcast_in_dim3A_90 : vector<16xf32> to vector<1x16xf32>
        tpu.vector_store %run_scoped3A_4[%swap3A_91, %swap3A_92], %swap3A_95 {strides = array<i32>} : memref<100x144xf32, #tpu.memory_space<vmem>>, vector<1x16xf32>,
        %broadcast_in_dim3A_96 = arith.constant 0.000000e+00 : f32
        %broadcast_in_dim3A_97 = vector.broadcast %broadcast_in_dim3A_96 : f32 to vector<16xf32>
        %swap3A_98 = arith.index_cast %scan3A_54 : i32 to index
        %swap3A_99 = arith.constant 96 : index
        %swap3A_100 = tpu.vector_load %run_scoped3A_4[%swap3A_98, %swap3A_99] {strides = array<i32>} : memref<100x144xf32, #tpu.memory_space<vmem>>, vector<1x16xf32>,
        %swap3A_101 = vector.shape_cast %swap3A_100 : vector<1x16xf32> to vector<16xf32>
        %swap3A_102 = vector.shape_cast %broadcast_in_dim3A_97 : vector<16xf32> to vector<1x16xf32>
        tpu.vector_store %run_scoped3A_4[%swap3A_98, %swap3A_99], %swap3A_102 {strides = array<i32>} : memref<100x144xf32, #tpu.memory_space<vmem>>, vector<1x16xf32>,
        %broadcast_in_dim3A_103 = arith.constant 0.000000e+00 : f32
        %broadcast_in_dim3A_104 = vector.broadcast %broadcast_in_dim3A_103 : f32 to vector<16xf32>
        %swap3A_105 = arith.index_cast %scan3A_54 : i32 to index
        %swap3A_106 = arith.constant 112 : index
        %swap3A_107 = tpu.vector_load %run_scoped3A_4[%swap3A_105, %swap3A_106] {strides = array<i32>} : memref<100x144xf32, #tpu.memory_space<vmem>>, vector<1x16xf32>,
        %swap3A_108 = vector.shape_cast %swap3A_107 : vector<1x16xf32> to vector<16xf32>
        %swap3A_109 = vector.shape_cast %broadcast_in_dim3A_104 : vector<16xf32> to vector<1x16xf32>
        tpu.vector_store %run_scoped3A_4[%swap3A_105, %swap3A_106], %swap3A_109 {strides = array<i32>} : memref<100x144xf32, #tpu.memory_space<vmem>>, vector<1x16xf32>,
        %broadcast_in_dim3A_110 = arith.constant 0.000000e+00 : f32
        %broadcast_in_dim3A_111 = vector.broadcast %broadcast_in_dim3A_110 : f32 to vector<16xf32>
        %swap3A_112 = arith.index_cast %scan3A_54 : i32 to index
        %swap3A_113 = arith.constant 128 : index
        %swap3A_114 = tpu.vector_load %run_scoped3A_4[%swap3A_112, %swap3A_113] {strides = array<i32>} : memref<100x144xf32, #tpu.memory_space<vmem>>, vector<1x16xf32>,
        %swap3A_115 = vector.shape_cast %swap3A_114 : vector<1x16xf32> to vector<16xf32>
        %swap3A_116 = vector.shape_cast %broadcast_in_dim3A_111 : vector<16xf32> to vector<1x16xf32>
        tpu.vector_store %run_scoped3A_4[%swap3A_112, %swap3A_113], %swap3A_116 {strides = array<i32>} : memref<100x144xf32, #tpu.memory_space<vmem>>, vector<1x16xf32>,
        %scan3A_117 = arith.constant 0 : i32
        scf.yield %scan3A_117 : i32
      }
      %scan3A_13 = arith.constant 100 : i32
      %mul3A_14 = arith.constant 625 : i32
      %mul3A_15 = arith.muli %arg1, %mul3A_14 : i32
      "tpu.region"() ({
        %run_scoped3A_54 = tpu.sem_alloc : memref<!tpu.dma_semaphore, #tpu.memory_space<semaphore_mem>>
        %dma_start3A = arith.constant 0 : i32
        %dma_start3A_55 = arith.constant 0 : i32
        %dma_start3A_56 = tpu.memref_slice %run_scoped3A_4[%dma_start3A, %dma_start3A_55] : memref<100x144xf32, #tpu.memory_space<vmem>> -> memref<100x144xf32, #tpu.memory_space<vmem>>
        %dma_start3A_57 = arith.constant 0 : i32
        %dma_start3A_58 = tpu.memref_slice %arg6[%mul3A_15, %dma_start3A_57] : memref<10000x144xf32, #tpu.memory_space<vmem_shared>> -> memref<100x144xf32, #tpu.memory_space<vmem_shared>>
        %dma_start3A_59 = arith.constant 0 : i32
        %dma_start3A_60 = tpu.memref_slice %arg6[%mul3A_15, %dma_start3A_59] : memref<10000x144xf32, #tpu.memory_space<vmem_shared>> -> memref<100x144xf32, #tpu.memory_space<vmem_shared>>
        %dma_start3A_61 = arith.constant 0 : i32
        %dma_start3A_62 = arith.constant 0 : i32
        %dma_start3A_63 = tpu.memref_slice %run_scoped3A_4[%dma_start3A_61, %dma_start3A_62] : memref<100x144xf32, #tpu.memory_space<vmem>> -> memref<100x144xf32, #tpu.memory_space<vmem>>
        tpu.enqueue_dma source(%dma_start3A_63 : memref<100x144xf32, #tpu.memory_space<vmem>>) target(%dma_start3A_60 : memref<100x144xf32, #tpu.memory_space<vmem_shared>>) target_semaphore(%run_scoped3A_54 : memref<!tpu.dma_semaphore, #tpu.memory_space<semaphore_mem>>)
        %dma_wait3A = arith.constant 0 : i32
        %dma_wait3A_64 = arith.constant 0 : i32
        %dma_wait3A_65 = tpu.memref_slice %run_scoped3A_4[%dma_wait3A, %dma_wait3A_64] : memref<100x144xf32, #tpu.memory_space<vmem>> -> memref<100x144xf32, #tpu.memory_space<vmem>>
        %dma_wait3A_66 = arith.constant 0 : i32
        %dma_wait3A_67 = tpu.memref_slice %arg6[%mul3A_15, %dma_wait3A_66] : memref<10000x144xf32, #tpu.memory_space<vmem_shared>> -> memref<100x144xf32, #tpu.memory_space<vmem_shared>>
        %dma_wait3A_68 = arith.constant 0 : i32
        %dma_wait3A_69 = tpu.memref_slice %arg6[%mul3A_15, %dma_wait3A_68] : memref<10000x144xf32, #tpu.memory_space<vmem_shared>> -> memref<100x144xf32, #tpu.memory_space<vmem_shared>>
        %dma_wait3A_70 = arith.constant 0 : i32
        %dma_wait3A_71 = arith.constant 0 : i32
        %dma_wait3A_72 = tpu.memref_slice %run_scoped3A_4[%dma_wait3A_70, %dma_wait3A_71] : memref<100x144xf32, #tpu.memory_space<vmem>> -> memref<100x144xf32, #tpu.memory_space<vmem>>
        tpu.wait_dma2 semaphore(%run_scoped3A_54 : memref<!tpu.dma_semaphore, #tpu.memory_space<semaphore_mem>>) src(%dma_wait3A_72 : memref<100x144xf32, #tpu.memory_space<vmem>>) dst(%dma_wait3A_69 : memref<100x144xf32, #tpu.memory_space<vmem_shared>>)
        tpu.yield
      }) : () -> ()
      %add3A_16 = arith.constant 100 : i32
      %add3A_17 = arith.addi %mul3A_15, %add3A_16 : i32
      "tpu.region"() ({
        %run_scoped3A_54 = tpu.sem_alloc : memref<!tpu.dma_semaphore, #tpu.memory_space<semaphore_mem>>
        %dma_start3A = arith.constant 0 : i32
        %dma_start3A_55 = arith.constant 0 : i32
        %dma_start3A_56 = tpu.memref_slice %run_scoped3A_4[%dma_start3A, %dma_start3A_55] : memref<100x144xf32, #tpu.memory_space<vmem>> -> memref<100x144xf32, #tpu.memory_space<vmem>>
        %dma_start3A_57 = arith.constant 0 : i32
        %dma_start3A_58 = tpu.memref_slice %arg6[%add3A_17, %dma_start3A_57] : memref<10000x144xf32, #tpu.memory_space<vmem_shared>> -> memref<100x144xf32, #tpu.memory_space<vmem_shared>>
        %dma_start3A_59 = arith.constant 0 : i32
        %dma_start3A_60 = tpu.memref_slice %arg6[%add3A_17, %dma_start3A_59] : memref<10000x144xf32, #tpu.memory_space<vmem_shared>> -> memref<100x144xf32, #tpu.memory_space<vmem_shared>>
        %dma_start3A_61 = arith.constant 0 : i32
        %dma_start3A_62 = arith.constant 0 : i32
        %dma_start3A_63 = tpu.memref_slice %run_scoped3A_4[%dma_start3A_61, %dma_start3A_62] : memref<100x144xf32, #tpu.memory_space<vmem>> -> memref<100x144xf32, #tpu.memory_space<vmem>>
        tpu.enqueue_dma source(%dma_start3A_63 : memref<100x144xf32, #tpu.memory_space<vmem>>) target(%dma_start3A_60 : memref<100x144xf32, #tpu.memory_space<vmem_shared>>) target_semaphore(%run_scoped3A_54 : memref<!tpu.dma_semaphore, #tpu.memory_space<semaphore_mem>>)
        %dma_wait3A = arith.constant 0 : i32
        %dma_wait3A_64 = arith.constant 0 : i32
        %dma_wait3A_65 = tpu.memref_slice %run_scoped3A_4[%dma_wait3A, %dma_wait3A_64] : memref<100x144xf32, #tpu.memory_space<vmem>> -> memref<100x144xf32, #tpu.memory_space<vmem>>
        %dma_wait3A_66 = arith.constant 0 : i32
        %dma_wait3A_67 = tpu.memref_slice %arg6[%add3A_17, %dma_wait3A_66] : memref<10000x144xf32, #tpu.memory_space<vmem_shared>> -> memref<100x144xf32, #tpu.memory_space<vmem_shared>>
        %dma_wait3A_68 = arith.constant 0 : i32
        %dma_wait3A_69 = tpu.memref_slice %arg6[%add3A_17, %dma_wait3A_68] : memref<10000x144xf32, #tpu.memory_space<vmem_shared>> -> memref<100x144xf32, #tpu.memory_space<vmem_shared>>
        %dma_wait3A_70 = arith.constant 0 : i32
        %dma_wait3A_71 = arith.constant 0 : i32
        %dma_wait3A_72 = tpu.memref_slice %run_scoped3A_4[%dma_wait3A_70, %dma_wait3A_71] : memref<100x144xf32, #tpu.memory_space<vmem>> -> memref<100x144xf32, #tpu.memory_space<vmem>>
        tpu.wait_dma2 semaphore(%run_scoped3A_54 : memref<!tpu.dma_semaphore, #tpu.memory_space<semaphore_mem>>) src(%dma_wait3A_72 : memref<100x144xf32, #tpu.memory_space<vmem>>) dst(%dma_wait3A_69 : memref<100x144xf32, #tpu.memory_space<vmem_shared>>)
        tpu.yield
      }) : () -> ()
      %add3A_18 = arith.constant 100 : i32
      %add3A_19 = arith.addi %add3A_17, %add3A_18 : i32
      "tpu.region"() ({
        %run_scoped3A_54 = tpu.sem_alloc : memref<!tpu.dma_semaphore, #tpu.memory_space<semaphore_mem>>
        %dma_start3A = arith.constant 0 : i32
        %dma_start3A_55 = arith.constant 0 : i32
        %dma_start3A_56 = tpu.memref_slice %run_scoped3A_4[%dma_start3A, %dma_start3A_55] : memref<100x144xf32, #tpu.memory_space<vmem>> -> memref<100x144xf32, #tpu.memory_space<vmem>>
        %dma_start3A_57 = arith.constant 0 : i32
        %dma_start3A_58 = tpu.memref_slice %arg6[%add3A_19, %dma_start3A_57] : memref<10000x144xf32, #tpu.memory_space<vmem_shared>> -> memref<100x144xf32, #tpu.memory_space<vmem_shared>>
        %dma_start3A_59 = arith.constant 0 : i32
        %dma_start3A_60 = tpu.memref_slice %arg6[%add3A_19, %dma_start3A_59] : memref<10000x144xf32, #tpu.memory_space<vmem_shared>> -> memref<100x144xf32, #tpu.memory_space<vmem_shared>>
        %dma_start3A_61 = arith.constant 0 : i32
        %dma_start3A_62 = arith.constant 0 : i32
        %dma_start3A_63 = tpu.memref_slice %run_scoped3A_4[%dma_start3A_61, %dma_start3A_62] : memref<100x144xf32, #tpu.memory_space<vmem>> -> memref<100x144xf32, #tpu.memory_space<vmem>>
        tpu.enqueue_dma source(%dma_start3A_63 : memref<100x144xf32, #tpu.memory_space<vmem>>) target(%dma_start3A_60 : memref<100x144xf32, #tpu.memory_space<vmem_shared>>) target_semaphore(%run_scoped3A_54 : memref<!tpu.dma_semaphore, #tpu.memory_space<semaphore_mem>>)
        %dma_wait3A = arith.constant 0 : i32
        %dma_wait3A_64 = arith.constant 0 : i32
        %dma_wait3A_65 = tpu.memref_slice %run_scoped3A_4[%dma_wait3A, %dma_wait3A_64] : memref<100x144xf32, #tpu.memory_space<vmem>> -> memref<100x144xf32, #tpu.memory_space<vmem>>
        %dma_wait3A_66 = arith.constant 0 : i32
        %dma_wait3A_67 = tpu.memref_slice %arg6[%add3A_19, %dma_wait3A_66] : memref<10000x144xf32, #tpu.memory_space<vmem_shared>> -> memref<100x144xf32, #tpu.memory_space<vmem_shared>>
        %dma_wait3A_68 = arith.constant 0 : i32
        %dma_wait3A_69 = tpu.memref_slice %arg6[%add3A_19, %dma_wait3A_68] : memref<10000x144xf32, #tpu.memory_space<vmem_shared>> -> memref<100x144xf32, #tpu.memory_space<vmem_shared>>
        %dma_wait3A_70 = arith.constant 0 : i32
        %dma_wait3A_71 = arith.constant 0 : i32
        %dma_wait3A_72 = tpu.memref_slice %run_scoped3A_4[%dma_wait3A_70, %dma_wait3A_71] : memref<100x144xf32, #tpu.memory_space<vmem>> -> memref<100x144xf32, #tpu.memory_space<vmem>>
        tpu.wait_dma2 semaphore(%run_scoped3A_54 : memref<!tpu.dma_semaphore, #tpu.memory_space<semaphore_mem>>) src(%dma_wait3A_72 : memref<100x144xf32, #tpu.memory_space<vmem>>) dst(%dma_wait3A_69 : memref<100x144xf32, #tpu.memory_space<vmem_shared>>)
        tpu.yield
      }) : () -> ()
      %add3A_20 = arith.constant 100 : i32
      %add3A_21 = arith.addi %add3A_19, %add3A_20 : i32
      "tpu.region"() ({
        %run_scoped3A_54 = tpu.sem_alloc : memref<!tpu.dma_semaphore, #tpu.memory_space<semaphore_mem>>
        %dma_start3A = arith.constant 0 : i32
        %dma_start3A_55 = arith.constant 0 : i32
        %dma_start3A_56 = tpu.memref_slice %run_scoped3A_4[%dma_start3A, %dma_start3A_55] : memref<100x144xf32, #tpu.memory_space<vmem>> -> memref<100x144xf32, #tpu.memory_space<vmem>>
        %dma_start3A_57 = arith.constant 0 : i32
        %dma_start3A_58 = tpu.memref_slice %arg6[%add3A_21, %dma_start3A_57] : memref<10000x144xf32, #tpu.memory_space<vmem_shared>> -> memref<100x144xf32, #tpu.memory_space<vmem_shared>>
        %dma_start3A_59 = arith.constant 0 : i32
        %dma_start3A_60 = tpu.memref_slice %arg6[%add3A_21, %dma_start3A_59] : memref<10000x144xf32, #tpu.memory_space<vmem_shared>> -> memref<100x144xf32, #tpu.memory_space<vmem_shared>>
        %dma_start3A_61 = arith.constant 0 : i32
        %dma_start3A_62 = arith.constant 0 : i32
        %dma_start3A_63 = tpu.memref_slice %run_scoped3A_4[%dma_start3A_61, %dma_start3A_62] : memref<100x144xf32, #tpu.memory_space<vmem>> -> memref<100x144xf32, #tpu.memory_space<vmem>>
        tpu.enqueue_dma source(%dma_start3A_63 : memref<100x144xf32, #tpu.memory_space<vmem>>) target(%dma_start3A_60 : memref<100x144xf32, #tpu.memory_space<vmem_shared>>) target_semaphore(%run_scoped3A_54 : memref<!tpu.dma_semaphore, #tpu.memory_space<semaphore_mem>>)
        %dma_wait3A = arith.constant 0 : i32
        %dma_wait3A_64 = arith.constant 0 : i32
        %dma_wait3A_65 = tpu.memref_slice %run_scoped3A_4[%dma_wait3A, %dma_wait3A_64] : memref<100x144xf32, #tpu.memory_space<vmem>> -> memref<100x144xf32, #tpu.memory_space<vmem>>
        %dma_wait3A_66 = arith.constant 0 : i32
        %dma_wait3A_67 = tpu.memref_slice %arg6[%add3A_21, %dma_wait3A_66] : memref<10000x144xf32, #tpu.memory_space<vmem_shared>> -> memref<100x144xf32, #tpu.memory_space<vmem_shared>>
        %dma_wait3A_68 = arith.constant 0 : i32
        %dma_wait3A_69 = tpu.memref_slice %arg6[%add3A_21, %dma_wait3A_68] : memref<10000x144xf32, #tpu.memory_space<vmem_shared>> -> memref<100x144xf32, #tpu.memory_space<vmem_shared>>
        %dma_wait3A_70 = arith.constant 0 : i32
        %dma_wait3A_71 = arith.constant 0 : i32
        %dma_wait3A_72 = tpu.memref_slice %run_scoped3A_4[%dma_wait3A_70, %dma_wait3A_71] : memref<100x144xf32, #tpu.memory_space<vmem>> -> memref<100x144xf32, #tpu.memory_space<vmem>>
        tpu.wait_dma2 semaphore(%run_scoped3A_54 : memref<!tpu.dma_semaphore, #tpu.memory_space<semaphore_mem>>) src(%dma_wait3A_72 : memref<100x144xf32, #tpu.memory_space<vmem>>) dst(%dma_wait3A_69 : memref<100x144xf32, #tpu.memory_space<vmem_shared>>)
        tpu.yield
      }) : () -> ()
      %add3A_22 = arith.constant 100 : i32
      %add3A_23 = arith.addi %add3A_21, %add3A_22 : i32
      "tpu.region"() ({
        %run_scoped3A_54 = tpu.sem_alloc : memref<!tpu.dma_semaphore, #tpu.memory_space<semaphore_mem>>
        %dma_start3A = arith.constant 0 : i32
        %dma_start3A_55 = arith.constant 0 : i32
        %dma_start3A_56 = tpu.memref_slice %run_scoped3A_4[%dma_start3A, %dma_start3A_55] : memref<100x144xf32, #tpu.memory_space<vmem>> -> memref<100x144xf32, #tpu.memory_space<vmem>>
        %dma_start3A_57 = arith.constant 0 : i32
        %dma_start3A_58 = tpu.memref_slice %arg6[%add3A_23, %dma_start3A_57] : memref<10000x144xf32, #tpu.memory_space<vmem_shared>> -> memref<100x144xf32, #tpu.memory_space<vmem_shared>>
        %dma_start3A_59 = arith.constant 0 : i32
        %dma_start3A_60 = tpu.memref_slice %arg6[%add3A_23, %dma_start3A_59] : memref<10000x144xf32, #tpu.memory_space<vmem_shared>> -> memref<100x144xf32, #tpu.memory_space<vmem_shared>>
        %dma_start3A_61 = arith.constant 0 : i32
        %dma_start3A_62 = arith.constant 0 : i32
        %dma_start3A_63 = tpu.memref_slice %run_scoped3A_4[%dma_start3A_61, %dma_start3A_62] : memref<100x144xf32, #tpu.memory_space<vmem>> -> memref<100x144xf32, #tpu.memory_space<vmem>>
        tpu.enqueue_dma source(%dma_start3A_63 : memref<100x144xf32, #tpu.memory_space<vmem>>) target(%dma_start3A_60 : memref<100x144xf32, #tpu.memory_space<vmem_shared>>) target_semaphore(%run_scoped3A_54 : memref<!tpu.dma_semaphore, #tpu.memory_space<semaphore_mem>>)
        %dma_wait3A = arith.constant 0 : i32
        %dma_wait3A_64 = arith.constant 0 : i32
        %dma_wait3A_65 = tpu.memref_slice %run_scoped3A_4[%dma_wait3A, %dma_wait3A_64] : memref<100x144xf32, #tpu.memory_space<vmem>> -> memref<100x144xf32, #tpu.memory_space<vmem>>
        %dma_wait3A_66 = arith.constant 0 : i32
        %dma_wait3A_67 = tpu.memref_slice %arg6[%add3A_23, %dma_wait3A_66] : memref<10000x144xf32, #tpu.memory_space<vmem_shared>> -> memref<100x144xf32, #tpu.memory_space<vmem_shared>>
        %dma_wait3A_68 = arith.constant 0 : i32
        %dma_wait3A_69 = tpu.memref_slice %arg6[%add3A_23, %dma_wait3A_68] : memref<10000x144xf32, #tpu.memory_space<vmem_shared>> -> memref<100x144xf32, #tpu.memory_space<vmem_shared>>
        %dma_wait3A_70 = arith.constant 0 : i32
        %dma_wait3A_71 = arith.constant 0 : i32
        %dma_wait3A_72 = tpu.memref_slice %run_scoped3A_4[%dma_wait3A_70, %dma_wait3A_71] : memref<100x144xf32, #tpu.memory_space<vmem>> -> memref<100x144xf32, #tpu.memory_space<vmem>>
        tpu.wait_dma2 semaphore(%run_scoped3A_54 : memref<!tpu.dma_semaphore, #tpu.memory_space<semaphore_mem>>) src(%dma_wait3A_72 : memref<100x144xf32, #tpu.memory_space<vmem>>) dst(%dma_wait3A_69 : memref<100x144xf32, #tpu.memory_space<vmem_shared>>)
        tpu.yield
      }) : () -> ()
      %add3A_24 = arith.constant 100 : i32
      %add3A_25 = arith.addi %add3A_23, %add3A_24 : i32
      "tpu.region"() ({
        %run_scoped3A_54 = tpu.sem_alloc : memref<!tpu.dma_semaphore, #tpu.memory_space<semaphore_mem>>
        %dma_start3A = arith.constant 0 : i32
        %dma_start3A_55 = arith.constant 0 : i32
        %dma_start3A_56 = tpu.memref_slice %run_scoped3A_4[%dma_start3A, %dma_start3A_55] : memref<100x144xf32, #tpu.memory_space<vmem>> -> memref<100x144xf32, #tpu.memory_space<vmem>>
        %dma_start3A_57 = arith.constant 0 : i32
        %dma_start3A_58 = tpu.memref_slice %arg6[%add3A_25, %dma_start3A_57] : memref<10000x144xf32, #tpu.memory_space<vmem_shared>> -> memref<100x144xf32, #tpu.memory_space<vmem_shared>>
        %dma_start3A_59 = arith.constant 0 : i32
        %dma_start3A_60 = tpu.memref_slice %arg6[%add3A_25, %dma_start3A_59] : memref<10000x144xf32, #tpu.memory_space<vmem_shared>> -> memref<100x144xf32, #tpu.memory_space<vmem_shared>>
        %dma_start3A_61 = arith.constant 0 : i32
        %dma_start3A_62 = arith.constant 0 : i32
        %dma_start3A_63 = tpu.memref_slice %run_scoped3A_4[%dma_start3A_61, %dma_start3A_62] : memref<100x144xf32, #tpu.memory_space<vmem>> -> memref<100x144xf32, #tpu.memory_space<vmem>>
        tpu.enqueue_dma source(%dma_start3A_63 : memref<100x144xf32, #tpu.memory_space<vmem>>) target(%dma_start3A_60 : memref<100x144xf32, #tpu.memory_space<vmem_shared>>) target_semaphore(%run_scoped3A_54 : memref<!tpu.dma_semaphore, #tpu.memory_space<semaphore_mem>>)
        %dma_wait3A = arith.constant 0 : i32
        %dma_wait3A_64 = arith.constant 0 : i32
        %dma_wait3A_65 = tpu.memref_slice %run_scoped3A_4[%dma_wait3A, %dma_wait3A_64] : memref<100x144xf32, #tpu.memory_space<vmem>> -> memref<100x144xf32, #tpu.memory_space<vmem>>
        %dma_wait3A_66 = arith.constant 0 : i32
        %dma_wait3A_67 = tpu.memref_slice %arg6[%add3A_25, %dma_wait3A_66] : memref<10000x144xf32, #tpu.memory_space<vmem_shared>> -> memref<100x144xf32, #tpu.memory_space<vmem_shared>>
        %dma_wait3A_68 = arith.constant 0 : i32
        %dma_wait3A_69 = tpu.memref_slice %arg6[%add3A_25, %dma_wait3A_68] : memref<10000x144xf32, #tpu.memory_space<vmem_shared>> -> memref<100x144xf32, #tpu.memory_space<vmem_shared>>
        %dma_wait3A_70 = arith.constant 0 : i32
        %dma_wait3A_71 = arith.constant 0 : i32
        %dma_wait3A_72 = tpu.memref_slice %run_scoped3A_4[%dma_wait3A_70, %dma_wait3A_71] : memref<100x144xf32, #tpu.memory_space<vmem>> -> memref<100x144xf32, #tpu.memory_space<vmem>>
        tpu.wait_dma2 semaphore(%run_scoped3A_54 : memref<!tpu.dma_semaphore, #tpu.memory_space<semaphore_mem>>) src(%dma_wait3A_72 : memref<100x144xf32, #tpu.memory_space<vmem>>) dst(%dma_wait3A_69 : memref<100x144xf32, #tpu.memory_space<vmem_shared>>)
        tpu.yield
      }) : () -> ()
      %add3A_26 = arith.constant 100 : i32
      %add3A_27 = arith.addi %add3A_25, %add3A_26 : i32
      "tpu.region"() ({
        %run_scoped3A_54 = tpu.sem_alloc : memref<!tpu.dma_semaphore, #tpu.memory_space<semaphore_mem>>
        %dma_start3A = arith.constant 0 : i32
        %dma_start3A_55 = arith.constant 0 : i32
        %dma_start3A_56 = tpu.memref_slice %run_scoped3A_4[%dma_start3A, %dma_start3A_55] : memref<100x144xf32, #tpu.memory_space<vmem>> -> memref<25x144xf32, #tpu.memory_space<vmem>>
        %dma_start3A_57 = arith.constant 0 : i32
        %dma_start3A_58 = tpu.memref_slice %arg6[%add3A_27, %dma_start3A_57] : memref<10000x144xf32, #tpu.memory_space<vmem_shared>> -> memref<25x144xf32, #tpu.memory_space<vmem_shared>>
        %dma_start3A_59 = arith.constant 0 : i32
        %dma_start3A_60 = tpu.memref_slice %arg6[%add3A_27, %dma_start3A_59] : memref<10000x144xf32, #tpu.memory_space<vmem_shared>> -> memref<25x144xf32, #tpu.memory_space<vmem_shared>>
        %dma_start3A_61 = arith.constant 0 : i32
        %dma_start3A_62 = arith.constant 0 : i32
        %dma_start3A_63 = tpu.memref_slice %run_scoped3A_4[%dma_start3A_61, %dma_start3A_62] : memref<100x144xf32, #tpu.memory_space<vmem>> -> memref<25x144xf32, #tpu.memory_space<vmem>>
        tpu.enqueue_dma source(%dma_start3A_63 : memref<25x144xf32, #tpu.memory_space<vmem>>) target(%dma_start3A_60 : memref<25x144xf32, #tpu.memory_space<vmem_shared>>) target_semaphore(%run_scoped3A_54 : memref<!tpu.dma_semaphore, #tpu.memory_space<semaphore_mem>>)
        %dma_wait3A = arith.constant 0 : i32
        %dma_wait3A_64 = arith.constant 0 : i32
        %dma_wait3A_65 = tpu.memref_slice %run_scoped3A_4[%dma_wait3A, %dma_wait3A_64] : memref<100x144xf32, #tpu.memory_space<vmem>> -> memref<25x144xf32, #tpu.memory_space<vmem>>
        %dma_wait3A_66 = arith.constant 0 : i32
        %dma_wait3A_67 = tpu.memref_slice %arg6[%add3A_27, %dma_wait3A_66] : memref<10000x144xf32, #tpu.memory_space<vmem_shared>> -> memref<25x144xf32, #tpu.memory_space<vmem_shared>>
        %dma_wait3A_68 = arith.constant 0 : i32
        %dma_wait3A_69 = tpu.memref_slice %arg6[%add3A_27, %dma_wait3A_68] : memref<10000x144xf32, #tpu.memory_space<vmem_shared>> -> memref<25x144xf32, #tpu.memory_space<vmem_shared>>
        %dma_wait3A_70 = arith.constant 0 : i32
        %dma_wait3A_71 = arith.constant 0 : i32
        %dma_wait3A_72 = tpu.memref_slice %run_scoped3A_4[%dma_wait3A_70, %dma_wait3A_71] : memref<100x144xf32, #tpu.memory_space<vmem>> -> memref<25x144xf32, #tpu.memory_space<vmem>>
        tpu.wait_dma2 semaphore(%run_scoped3A_54 : memref<!tpu.dma_semaphore, #tpu.memory_space<semaphore_mem>>) src(%dma_wait3A_72 : memref<25x144xf32, #tpu.memory_space<vmem>>) dst(%dma_wait3A_69 : memref<25x144xf32, #tpu.memory_space<vmem_shared>>)
        tpu.yield
      }) : () -> ()
      %add3A_28 = arith.constant 25 : i32
      %add3A_29 = arith.addi %add3A_27, %add3A_28 : i32
      %barrier3A = arith.constant 0 : index
      tpu.barrier barrier_id(%barrier3A)
      %scan3A_30 = arith.constant 0 : i32
      %scan3A_31 = arith.constant 0 : i32
      %scan3A_32 = arith.constant 2 : i32
      %scan3A_33 = arith.addi %scan3A_31, %scan3A_32 : i32
      %scan3A_34 = arith.constant 1 : i32
      %scan3A_35 = scf.for %scan3A_54 = %scan3A_31 to %scan3A_33 step %scan3A_34 iter_args(%scan3A_55 = %scan3A_30) -> (i32)  : i32 {
        %mul3A_56 = arith.constant 100 : i32
        %mul3A_57 = arith.muli %add3A, %mul3A_56 : i32
        %mul3A_58 = arith.constant 50 : i32
        %mul3A_59 = arith.muli %scan3A_54, %mul3A_58 : i32
        %add3A_60 = arith.addi %mul3A_57, %mul3A_59 : i32
        "tpu.region"() ({
          %run_scoped3A_81 = tpu.sem_alloc : memref<!tpu.dma_semaphore, #tpu.memory_space<semaphore_mem>>
          %dma_start3A_82 = arith.constant 0 : i32
          %dma_start3A_83 = tpu.memref_slice %arg3[%add3A_60, %dma_start3A_82] : memref<3200x100xi32, #tpu.memory_space<hbm>> -> memref<50x100xi32, #tpu.memory_space<hbm>>
          %dma_start3A_84 = arith.constant 0 : i32
          %dma_start3A_85 = tpu.memref_slice %arg3[%add3A_60, %dma_start3A_84] : memref<3200x100xi32, #tpu.memory_space<hbm>> -> memref<50x100xi32, #tpu.memory_space<hbm>>
          tpu.enqueue_dma source(%dma_start3A_85 : memref<50x100xi32, #tpu.memory_space<hbm>>) target(%run_scoped3A : memref<50x100xi32, #tpu.memory_space<vmem>>) target_semaphore(%run_scoped3A_81 : memref<!tpu.dma_semaphore, #tpu.memory_space<semaphore_mem>>)
          %dma_wait3A_86 = arith.constant 0 : i32
          %dma_wait3A_87 = tpu.memref_slice %arg3[%add3A_60, %dma_wait3A_86] : memref<3200x100xi32, #tpu.memory_space<hbm>> -> memref<50x100xi32, #tpu.memory_space<hbm>>
          %dma_wait3A_88 = arith.constant 0 : i32
          %dma_wait3A_89 = tpu.memref_slice %arg3[%add3A_60, %dma_wait3A_88] : memref<3200x100xi32, #tpu.memory_space<hbm>> -> memref<50x100xi32, #tpu.memory_space<hbm>>
          tpu.wait_dma2 semaphore(%run_scoped3A_81 : memref<!tpu.dma_semaphore, #tpu.memory_space<semaphore_mem>>) src(%dma_wait3A_89 : memref<50x100xi32, #tpu.memory_space<hbm>>) dst(%run_scoped3A : memref<50x100xi32, #tpu.memory_space<vmem>>)
          tpu.yield
        }) : () -> ()
        "tpu.region"() ({
          %run_scoped3A_81 = tpu.sem_alloc : memref<!tpu.dma_semaphore, #tpu.memory_space<semaphore_mem>>
          %dma_start3A_82 = arith.constant 0 : i32
          %dma_start3A_83 = tpu.memref_slice %arg4[%add3A_60, %dma_start3A_82] : memref<3200x100xi32, #tpu.memory_space<hbm>> -> memref<50x100xi32, #tpu.memory_space<hbm>>
          %dma_start3A_84 = arith.constant 0 : i32
          %dma_start3A_85 = tpu.memref_slice %arg4[%add3A_60, %dma_start3A_84] : memref<3200x100xi32, #tpu.memory_space<hbm>> -> memref<50x100xi32, #tpu.memory_space<hbm>>
          tpu.enqueue_dma source(%dma_start3A_85 : memref<50x100xi32, #tpu.memory_space<hbm>>) target(%run_scoped3A_1 : memref<50x100xi32, #tpu.memory_space<vmem>>) target_semaphore(%run_scoped3A_81 : memref<!tpu.dma_semaphore, #tpu.memory_space<semaphore_mem>>)
          %dma_wait3A_86 = arith.constant 0 : i32
          %dma_wait3A_87 = tpu.memref_slice %arg4[%add3A_60, %dma_wait3A_86] : memref<3200x100xi32, #tpu.memory_space<hbm>> -> memref<50x100xi32, #tpu.memory_space<hbm>>
          %dma_wait3A_88 = arith.constant 0 : i32
          %dma_wait3A_89 = tpu.memref_slice %arg4[%add3A_60, %dma_wait3A_88] : memref<3200x100xi32, #tpu.memory_space<hbm>> -> memref<50x100xi32, #tpu.memory_space<hbm>>
          tpu.wait_dma2 semaphore(%run_scoped3A_81 : memref<!tpu.dma_semaphore, #tpu.memory_space<semaphore_mem>>) src(%dma_wait3A_89 : memref<50x100xi32, #tpu.memory_space<hbm>>) dst(%run_scoped3A_1 : memref<50x100xi32, #tpu.memory_space<vmem>>)
          tpu.yield
        }) : () -> ()
        %dma_start3A = arith.constant 0 : i32
        %dma_start3A_61 = arith.constant 0 : i32
        %dma_start3A_62 = tpu.memref_slice %run_scoped3A[%dma_start3A, %dma_start3A_61] : memref<50x100xi32, #tpu.memory_space<vmem>> -> memref<1x100xi32, #tpu.memory_space<vmem>>
        %dma_start3A_63 = tpu.memref_squeeze %dma_start3A_62 : memref<1x100xi32, #tpu.memory_space<vmem>> -> memref<100xi32, #tpu.memory_space<vmem>>
        %dma_start3A_64 = arith.constant 0 : i32
        %dma_start3A_65 = arith.constant 0 : i32
        %dma_start3A_66 = tpu.memref_slice %arg2[%dma_start3A_64, %dma_start3A_65] : memref<10000x80xi32, #tpu.memory_space<hbm>> -> memref<10000x80xi32, #tpu.memory_space<hbm>>
        tpu.enqueue_indirect_dma source(%dma_start3A_66 : memref<10000x80xi32, #tpu.memory_space<hbm>>) target(%run_scoped3A_2 : memref<100x80xi32, #tpu.memory_space<vmem>>) offsets(%dma_start3A_63 : memref<100xi32, #tpu.memory_space<vmem>>) semaphore(%run_scoped3A_5 : memref<!tpu.dma_semaphore, #tpu.memory_space<semaphore_mem>>)
        %scan3A_67 = arith.constant 0 : i32
        %scan3A_68 = arith.constant 0 : i32
        %scan3A_69 = arith.constant 25 : i32
        %scan3A_70 = arith.addi %scan3A_68, %scan3A_69 : i32
        %scan3A_71 = arith.constant 1 : i32
        %scan3A_72 = scf.for %scan3A_81 = %scan3A_68 to %scan3A_70 step %scan3A_71 iter_args(%scan3A_82 = %scan3A_67) -> (i32)  : i32 {
          %mul3A_83 = arith.constant 2 : i32
          %mul3A_84 = arith.muli %mul3A_83, %scan3A_81 : i32
          %dma_wait3A_85 = arith.constant 0 : i32
          %dma_wait3A_86 = tpu.memref_slice %run_scoped3A[%mul3A_84, %dma_wait3A_85] : memref<50x100xi32, #tpu.memory_space<vmem>> -> memref<1x100xi32, #tpu.memory_space<vmem>>
          %dma_wait3A_87 = tpu.memref_squeeze %dma_wait3A_86 : memref<1x100xi32, #tpu.memory_space<vmem>> -> memref<100xi32, #tpu.memory_space<vmem>>
          %dma_wait3A_88 = arith.constant 0 : i32
          %dma_wait3A_89 = arith.constant 0 : i32
          %dma_wait3A_90 = tpu.memref_slice %arg2[%dma_wait3A_88, %dma_wait3A_89] : memref<10000x80xi32, #tpu.memory_space<hbm>> -> memref<10000x80xi32, #tpu.memory_space<hbm>>
          tpu.wait_indirect_dma semaphore(%run_scoped3A_5 : memref<!tpu.dma_semaphore, #tpu.memory_space<semaphore_mem>>) src(%dma_wait3A_90 : memref<10000x80xi32, #tpu.memory_space<hbm>>) dst(%run_scoped3A_2 : memref<100x80xi32, #tpu.memory_space<vmem>>)
          %add3A_91 = arith.constant 1 : i32
          %add3A_92 = arith.addi %mul3A_84, %add3A_91 : i32
          %dma_start3A_93 = arith.constant 0 : i32
          %dma_start3A_94 = tpu.memref_slice %run_scoped3A[%add3A_92, %dma_start3A_93] : memref<50x100xi32, #tpu.memory_space<vmem>> -> memref<1x100xi32, #tpu.memory_space<vmem>>
          %dma_start3A_95 = tpu.memref_squeeze %dma_start3A_94 : memref<1x100xi32, #tpu.memory_space<vmem>> -> memref<100xi32, #tpu.memory_space<vmem>>
          %dma_start3A_96 = arith.constant 0 : i32
          %dma_start3A_97 = arith.constant 0 : i32
          %dma_start3A_98 = tpu.memref_slice %arg2[%dma_start3A_96, %dma_start3A_97] : memref<10000x80xi32, #tpu.memory_space<hbm>> -> memref<10000x80xi32, #tpu.memory_space<hbm>>
          tpu.enqueue_indirect_dma source(%dma_start3A_98 : memref<10000x80xi32, #tpu.memory_space<hbm>>) target(%run_scoped3A_3 : memref<100x80xi32, #tpu.memory_space<vmem>>) offsets(%dma_start3A_95 : memref<100xi32, #tpu.memory_space<vmem>>) semaphore(%run_scoped3A_6 : memref<!tpu.dma_semaphore, #tpu.memory_space<semaphore_mem>>)
          %gt3A = arith.constant 0 : i32
          %gt3A_99 = arith.cmpi sgt, %scan3A_81, %gt3A : i32
          %convert_element_type3A = arith.extui %gt3A_99 : i1 to i32
          %cond3A = arith.constant 0 : i32
          %cond3A_100 = arith.cmpi ne, %convert_element_type3A, %cond3A : i32
          scf.if %cond3A_100 {
            %sub3A = arith.constant 1 : i32
            %sub3A_148 = arith.subi %mul3A_84, %sub3A : i32
            %dma_wait3A_149 = arith.constant 0 : i32
            %dma_wait3A_150 = tpu.memref_slice %run_scoped3A_1[%sub3A_148, %dma_wait3A_149] : memref<50x100xi32, #tpu.memory_space<vmem>> -> memref<1x100xi32, #tpu.memory_space<vmem>>
            %dma_wait3A_151 = tpu.memref_squeeze %dma_wait3A_150 : memref<1x100xi32, #tpu.memory_space<vmem>> -> memref<100xi32, #tpu.memory_space<vmem>>
            %dma_wait3A_152 = arith.constant 0 : i32
            %dma_wait3A_153 = arith.constant 0 : i32
            %dma_wait3A_154 = tpu.memref_slice %arg6[%dma_wait3A_152, %dma_wait3A_153] : memref<10000x144xf32, #tpu.memory_space<vmem_shared>> -> memref<10000x144xf32, #tpu.memory_space<vmem_shared>>
            tpu.wait_indirect_dma semaphore(%run_scoped3A_7 : memref<!tpu.dma_semaphore, #tpu.memory_space<semaphore_mem>>) src(%run_scoped3A_4 : memref<100x144xf32, #tpu.memory_space<vmem>>) dst(%dma_wait3A_154 : memref<10000x144xf32, #tpu.memory_space<vmem_shared>>)
          } else {
          }
          %scan3A_101 = arith.constant 0 : i32
          %scan3A_102 = arith.constant 0 : i32
          %scan3A_103 = arith.constant 50 : i32
          %scan3A_104 = arith.addi %scan3A_102, %scan3A_103 : i32
          %scan3A_105 = arith.constant 1 : i32
          %scan3A_106 = scf.for %scan3A_148 = %scan3A_102 to %scan3A_104 step %scan3A_105 iter_args(%scan3A_149 = %scan3A_101) -> (i32)  : i32 {
            %mul3A_150 = arith.constant 2 : i32
            %mul3A_151 = arith.muli %mul3A_150, %scan3A_148 : i32
            %add3A_152 = arith.constant 0 : i32
            %add3A_153 = arith.addi %mul3A_151, %add3A_152 : i32
            %get3A = arith.index_cast %add3A_153 : i32 to index
            %get3A_154 = arith.constant 0 : index
            %get3A_155 = tpu.vector_load %run_scoped3A_2[%get3A, %get3A_154] {strides = array<i32>} : memref<100x80xi32, #tpu.memory_space<vmem>>, vector<1x16xi32>,
            %get3A_156 = vector.shape_cast %get3A_155 : vector<1x16xi32> to vector<16xi32>
            %shift_left3A = arith.constant 16 : i32
            %shift_left3A_157 = vector.broadcast %shift_left3A : i32 to vector<16xi32>
            %shift_left3A_158 = arith.shli %get3A_156, %shift_left3A_157 : vector<16xi32>
            %bitcast_convert_type3A = tpu.bitcast %shift_left3A_158 : vector<16xi32> -> vector<16xf32>
            %swap3A = arith.index_cast %add3A_153 : i32 to index
            %swap3A_159 = arith.constant 0 : index
            %swap3A_160 = tpu.vector_load %run_scoped3A_4[%swap3A, %swap3A_159] {strides = array<i32>} : memref<100x144xf32, #tpu.memory_space<vmem>>, vector<1x16xf32>,
            %swap3A_161 = vector.shape_cast %swap3A_160 : vector<1x16xf32> to vector<16xf32>
            %swap3A_162 = vector.shape_cast %bitcast_convert_type3A : vector<16xf32> to vector<1x16xf32>
            tpu.vector_store %run_scoped3A_4[%swap3A, %swap3A_159], %swap3A_162 {strides = array<i32>} : memref<100x144xf32, #tpu.memory_space<vmem>>, vector<1x16xf32>,
            %and3A = arith.constant -65536 : i32
            %and3A_163 = vector.broadcast %and3A : i32 to vector<16xi32>
            %and3A_164 = arith.andi %get3A_156, %and3A_163 : vector<16xi32>
            %bitcast_convert_type3A_165 = tpu.bitcast %and3A_164 : vector<16xi32> -> vector<16xf32>
            %swap3A_166 = arith.index_cast %add3A_153 : i32 to index
            %swap3A_167 = arith.constant 80 : index
            %swap3A_168 = tpu.vector_load %run_scoped3A_4[%swap3A_166, %swap3A_167] {strides = array<i32>} : memref<100x144xf32, #tpu.memory_space<vmem>>, vector<1x16xf32>,
            %swap3A_169 = vector.shape_cast %swap3A_168 : vector<1x16xf32> to vector<16xf32>
            %swap3A_170 = vector.shape_cast %bitcast_convert_type3A_165 : vector<16xf32> to vector<1x16xf32>
            tpu.vector_store %run_scoped3A_4[%swap3A_166, %swap3A_167], %swap3A_170 {strides = array<i32>} : memref<100x144xf32, #tpu.memory_space<vmem>>, vector<1x16xf32>,
            %get3A_171 = arith.index_cast %add3A_153 : i32 to index
            %get3A_172 = arith.constant 16 : index
            %get3A_173 = tpu.vector_load %run_scoped3A_2[%get3A_171, %get3A_172] {strides = array<i32>} : memref<100x80xi32, #tpu.memory_space<vmem>>, vector<1x16xi32>,
            %get3A_174 = vector.shape_cast %get3A_173 : vector<1x16xi32> to vector<16xi32>
            %shift_left3A_175 = arith.constant 16 : i32
            %shift_left3A_176 = vector.broadcast %shift_left3A_175 : i32 to vector<16xi32>
            %shift_left3A_177 = arith.shli %get3A_174, %shift_left3A_176 : vector<16xi32>
            %bitcast_convert_type3A_178 = tpu.bitcast %shift_left3A_177 : vector<16xi32> -> vector<16xf32>
            %swap3A_179 = arith.index_cast %add3A_153 : i32 to index
            %swap3A_180 = arith.constant 16 : index
            %swap3A_181 = tpu.vector_load %run_scoped3A_4[%swap3A_179, %swap3A_180] {strides = array<i32>} : memref<100x144xf32, #tpu.memory_space<vmem>>, vector<1x16xf32>,
            %swap3A_182 = vector.shape_cast %swap3A_181 : vector<1x16xf32> to vector<16xf32>
            %swap3A_183 = vector.shape_cast %bitcast_convert_type3A_178 : vector<16xf32> to vector<1x16xf32>
            tpu.vector_store %run_scoped3A_4[%swap3A_179, %swap3A_180], %swap3A_183 {strides = array<i32>} : memref<100x144xf32, #tpu.memory_space<vmem>>, vector<1x16xf32>,
            %and3A_184 = arith.constant -65536 : i32
            %and3A_185 = vector.broadcast %and3A_184 : i32 to vector<16xi32>
            %and3A_186 = arith.andi %get3A_174, %and3A_185 : vector<16xi32>
            %bitcast_convert_type3A_187 = tpu.bitcast %and3A_186 : vector<16xi32> -> vector<16xf32>
            %swap3A_188 = arith.index_cast %add3A_153 : i32 to index
            %swap3A_189 = arith.constant 96 : index
            %swap3A_190 = tpu.vector_load %run_scoped3A_4[%swap3A_188, %swap3A_189] {strides = array<i32>} : memref<100x144xf32, #tpu.memory_space<vmem>>, vector<1x16xf32>,
            %swap3A_191 = vector.shape_cast %swap3A_190 : vector<1x16xf32> to vector<16xf32>
            %swap3A_192 = vector.shape_cast %bitcast_convert_type3A_187 : vector<16xf32> to vector<1x16xf32>
            tpu.vector_store %run_scoped3A_4[%swap3A_188, %swap3A_189], %swap3A_192 {strides = array<i32>} : memref<100x144xf32, #tpu.memory_space<vmem>>, vector<1x16xf32>,
            %get3A_193 = arith.index_cast %add3A_153 : i32 to index
            %get3A_194 = arith.constant 32 : index
            %get3A_195 = tpu.vector_load %run_scoped3A_2[%get3A_193, %get3A_194] {strides = array<i32>} : memref<100x80xi32, #tpu.memory_space<vmem>>, vector<1x16xi32>,
            %get3A_196 = vector.shape_cast %get3A_195 : vector<1x16xi32> to vector<16xi32>
            %shift_left3A_197 = arith.constant 16 : i32
            %shift_left3A_198 = vector.broadcast %shift_left3A_197 : i32 to vector<16xi32>
            %shift_left3A_199 = arith.shli %get3A_196, %shift_left3A_198 : vector<16xi32>
            %bitcast_convert_type3A_200 = tpu.bitcast %shift_left3A_199 : vector<16xi32> -> vector<16xf32>
            %swap3A_201 = arith.index_cast %add3A_153 : i32 to index
            %swap3A_202 = arith.constant 32 : index
            %swap3A_203 = tpu.vector_load %run_scoped3A_4[%swap3A_201, %swap3A_202] {strides = array<i32>} : memref<100x144xf32, #tpu.memory_space<vmem>>, vector<1x16xf32>,
            %swap3A_204 = vector.shape_cast %swap3A_203 : vector<1x16xf32> to vector<16xf32>
            %swap3A_205 = vector.shape_cast %bitcast_convert_type3A_200 : vector<16xf32> to vector<1x16xf32>
            tpu.vector_store %run_scoped3A_4[%swap3A_201, %swap3A_202], %swap3A_205 {strides = array<i32>} : memref<100x144xf32, #tpu.memory_space<vmem>>, vector<1x16xf32>,
            %and3A_206 = arith.constant -65536 : i32
            %and3A_207 = vector.broadcast %and3A_206 : i32 to vector<16xi32>
            %and3A_208 = arith.andi %get3A_196, %and3A_207 : vector<16xi32>
            %bitcast_convert_type3A_209 = tpu.bitcast %and3A_208 : vector<16xi32> -> vector<16xf32>
            %swap3A_210 = arith.index_cast %add3A_153 : i32 to index
            %swap3A_211 = arith.constant 112 : index
            %swap3A_212 = tpu.vector_load %run_scoped3A_4[%swap3A_210, %swap3A_211] {strides = array<i32>} : memref<100x144xf32, #tpu.memory_space<vmem>>, vector<1x16xf32>,
            %swap3A_213 = vector.shape_cast %swap3A_212 : vector<1x16xf32> to vector<16xf32>
            %swap3A_214 = vector.shape_cast %bitcast_convert_type3A_209 : vector<16xf32> to vector<1x16xf32>
            tpu.vector_store %run_scoped3A_4[%swap3A_210, %swap3A_211], %swap3A_214 {strides = array<i32>} : memref<100x144xf32, #tpu.memory_space<vmem>>, vector<1x16xf32>,
            %get3A_215 = arith.index_cast %add3A_153 : i32 to index
            %get3A_216 = arith.constant 48 : index
            %get3A_217 = tpu.vector_load %run_scoped3A_2[%get3A_215, %get3A_216] {strides = array<i32>} : memref<100x80xi32, #tpu.memory_space<vmem>>, vector<1x16xi32>,
            %get3A_218 = vector.shape_cast %get3A_217 : vector<1x16xi32> to vector<16xi32>
            %shift_left3A_219 = arith.constant 16 : i32
            %shift_left3A_220 = vector.broadcast %shift_left3A_219 : i32 to vector<16xi32>
            %shift_left3A_221 = arith.shli %get3A_218, %shift_left3A_220 : vector<16xi32>
            %bitcast_convert_type3A_222 = tpu.bitcast %shift_left3A_221 : vector<16xi32> -> vector<16xf32>
            %swap3A_223 = arith.index_cast %add3A_153 : i32 to index
            %swap3A_224 = arith.constant 48 : index
            %swap3A_225 = tpu.vector_load %run_scoped3A_4[%swap3A_223, %swap3A_224] {strides = array<i32>} : memref<100x144xf32, #tpu.memory_space<vmem>>, vector<1x16xf32>,
            %swap3A_226 = vector.shape_cast %swap3A_225 : vector<1x16xf32> to vector<16xf32>
            %swap3A_227 = vector.shape_cast %bitcast_convert_type3A_222 : vector<16xf32> to vector<1x16xf32>
            tpu.vector_store %run_scoped3A_4[%swap3A_223, %swap3A_224], %swap3A_227 {strides = array<i32>} : memref<100x144xf32, #tpu.memory_space<vmem>>, vector<1x16xf32>,
            %and3A_228 = arith.constant -65536 : i32
            %and3A_229 = vector.broadcast %and3A_228 : i32 to vector<16xi32>
            %and3A_230 = arith.andi %get3A_218, %and3A_229 : vector<16xi32>
            %bitcast_convert_type3A_231 = tpu.bitcast %and3A_230 : vector<16xi32> -> vector<16xf32>
            %swap3A_232 = arith.index_cast %add3A_153 : i32 to index
            %swap3A_233 = arith.constant 128 : index
            %swap3A_234 = tpu.vector_load %run_scoped3A_4[%swap3A_232, %swap3A_233] {strides = array<i32>} : memref<100x144xf32, #tpu.memory_space<vmem>>, vector<1x16xf32>,
            %swap3A_235 = vector.shape_cast %swap3A_234 : vector<1x16xf32> to vector<16xf32>
            %swap3A_236 = vector.shape_cast %bitcast_convert_type3A_231 : vector<16xf32> to vector<1x16xf32>
            tpu.vector_store %run_scoped3A_4[%swap3A_232, %swap3A_233], %swap3A_236 {strides = array<i32>} : memref<100x144xf32, #tpu.memory_space<vmem>>, vector<1x16xf32>,
            %get3A_237 = arith.index_cast %add3A_153 : i32 to index
            %get3A_238 = arith.constant 64 : index
            %get3A_239 = tpu.vector_load %run_scoped3A_2[%get3A_237, %get3A_238] {strides = array<i32>} : memref<100x80xi32, #tpu.memory_space<vmem>>, vector<1x16xi32>,
            %get3A_240 = vector.shape_cast %get3A_239 : vector<1x16xi32> to vector<16xi32>
            %shift_left3A_241 = arith.constant 16 : i32
            %shift_left3A_242 = vector.broadcast %shift_left3A_241 : i32 to vector<16xi32>
            %shift_left3A_243 = arith.shli %get3A_240, %shift_left3A_242 : vector<16xi32>
            %bitcast_convert_type3A_244 = tpu.bitcast %shift_left3A_243 : vector<16xi32> -> vector<16xf32>
            %swap3A_245 = arith.index_cast %add3A_153 : i32 to index
            %swap3A_246 = arith.constant 64 : index
            %swap3A_247 = tpu.vector_load %run_scoped3A_4[%swap3A_245, %swap3A_246] {strides = array<i32>} : memref<100x144xf32, #tpu.memory_space<vmem>>, vector<1x16xf32>,
            %swap3A_248 = vector.shape_cast %swap3A_247 : vector<1x16xf32> to vector<16xf32>
            %swap3A_249 = vector.shape_cast %bitcast_convert_type3A_244 : vector<16xf32> to vector<1x16xf32>
            tpu.vector_store %run_scoped3A_4[%swap3A_245, %swap3A_246], %swap3A_249 {strides = array<i32>} : memref<100x144xf32, #tpu.memory_space<vmem>>, vector<1x16xf32>,
            %mul3A_250 = arith.constant 2 : i32
            %mul3A_251 = arith.muli %mul3A_250, %scan3A_148 : i32
            %add3A_252 = arith.constant 1 : i32
            %add3A_253 = arith.addi %mul3A_251, %add3A_252 : i32
            %get3A_254 = arith.index_cast %add3A_253 : i32 to index
            %get3A_255 = arith.constant 0 : index
            %get3A_256 = tpu.vector_load %run_scoped3A_2[%get3A_254, %get3A_255] {strides = array<i32>} : memref<100x80xi32, #tpu.memory_space<vmem>>, vector<1x16xi32>,
            %get3A_257 = vector.shape_cast %get3A_256 : vector<1x16xi32> to vector<16xi32>
            %shift_left3A_258 = arith.constant 16 : i32
            %shift_left3A_259 = vector.broadcast %shift_left3A_258 : i32 to vector<16xi32>
            %shift_left3A_260 = arith.shli %get3A_257, %shift_left3A_259 : vector<16xi32>
            %bitcast_convert_type3A_261 = tpu.bitcast %shift_left3A_260 : vector<16xi32> -> vector<16xf32>
            %swap3A_262 = arith.index_cast %add3A_253 : i32 to index
            %swap3A_263 = arith.constant 0 : index
            %swap3A_264 = tpu.vector_load %run_scoped3A_4[%swap3A_262, %swap3A_263] {strides = array<i32>} : memref<100x144xf32, #tpu.memory_space<vmem>>, vector<1x16xf32>,
            %swap3A_265 = vector.shape_cast %swap3A_264 : vector<1x16xf32> to vector<16xf32>
            %swap3A_266 = vector.shape_cast %bitcast_convert_type3A_261 : vector<16xf32> to vector<1x16xf32>
            tpu.vector_store %run_scoped3A_4[%swap3A_262, %swap3A_263], %swap3A_266 {strides = array<i32>} : memref<100x144xf32, #tpu.memory_space<vmem>>, vector<1x16xf32>,
            %and3A_267 = arith.constant -65536 : i32
            %and3A_268 = vector.broadcast %and3A_267 : i32 to vector<16xi32>
            %and3A_269 = arith.andi %get3A_257, %and3A_268 : vector<16xi32>
            %bitcast_convert_type3A_270 = tpu.bitcast %and3A_269 : vector<16xi32> -> vector<16xf32>
            %swap3A_271 = arith.index_cast %add3A_253 : i32 to index
            %swap3A_272 = arith.constant 80 : index
            %swap3A_273 = tpu.vector_load %run_scoped3A_4[%swap3A_271, %swap3A_272] {strides = array<i32>} : memref<100x144xf32, #tpu.memory_space<vmem>>, vector<1x16xf32>,
            %swap3A_274 = vector.shape_cast %swap3A_273 : vector<1x16xf32> to vector<16xf32>
            %swap3A_275 = vector.shape_cast %bitcast_convert_type3A_270 : vector<16xf32> to vector<1x16xf32>
            tpu.vector_store %run_scoped3A_4[%swap3A_271, %swap3A_272], %swap3A_275 {strides = array<i32>} : memref<100x144xf32, #tpu.memory_space<vmem>>, vector<1x16xf32>,
            %get3A_276 = arith.index_cast %add3A_253 : i32 to index
            %get3A_277 = arith.constant 16 : index
            %get3A_278 = tpu.vector_load %run_scoped3A_2[%get3A_276, %get3A_277] {strides = array<i32>} : memref<100x80xi32, #tpu.memory_space<vmem>>, vector<1x16xi32>,
            %get3A_279 = vector.shape_cast %get3A_278 : vector<1x16xi32> to vector<16xi32>
            %shift_left3A_280 = arith.constant 16 : i32
            %shift_left3A_281 = vector.broadcast %shift_left3A_280 : i32 to vector<16xi32>
            %shift_left3A_282 = arith.shli %get3A_279, %shift_left3A_281 : vector<16xi32>
            %bitcast_convert_type3A_283 = tpu.bitcast %shift_left3A_282 : vector<16xi32> -> vector<16xf32>
            %swap3A_284 = arith.index_cast %add3A_253 : i32 to index
            %swap3A_285 = arith.constant 16 : index
            %swap3A_286 = tpu.vector_load %run_scoped3A_4[%swap3A_284, %swap3A_285] {strides = array<i32>} : memref<100x144xf32, #tpu.memory_space<vmem>>, vector<1x16xf32>,
            %swap3A_287 = vector.shape_cast %swap3A_286 : vector<1x16xf32> to vector<16xf32>
            %swap3A_288 = vector.shape_cast %bitcast_convert_type3A_283 : vector<16xf32> to vector<1x16xf32>
            tpu.vector_store %run_scoped3A_4[%swap3A_284, %swap3A_285], %swap3A_288 {strides = array<i32>} : memref<100x144xf32, #tpu.memory_space<vmem>>, vector<1x16xf32>,
            %and3A_289 = arith.constant -65536 : i32
            %and3A_290 = vector.broadcast %and3A_289 : i32 to vector<16xi32>
            %and3A_291 = arith.andi %get3A_279, %and3A_290 : vector<16xi32>
            %bitcast_convert_type3A_292 = tpu.bitcast %and3A_291 : vector<16xi32> -> vector<16xf32>
            %swap3A_293 = arith.index_cast %add3A_253 : i32 to index
            %swap3A_294 = arith.constant 96 : index
            %swap3A_295 = tpu.vector_load %run_scoped3A_4[%swap3A_293, %swap3A_294] {strides = array<i32>} : memref<100x144xf32, #tpu.memory_space<vmem>>, vector<1x16xf32>,
            %swap3A_296 = vector.shape_cast %swap3A_295 : vector<1x16xf32> to vector<16xf32>
            %swap3A_297 = vector.shape_cast %bitcast_convert_type3A_292 : vector<16xf32> to vector<1x16xf32>
            tpu.vector_store %run_scoped3A_4[%swap3A_293, %swap3A_294], %swap3A_297 {strides = array<i32>} : memref<100x144xf32, #tpu.memory_space<vmem>>, vector<1x16xf32>,
            %get3A_298 = arith.index_cast %add3A_253 : i32 to index
            %get3A_299 = arith.constant 32 : index
            %get3A_300 = tpu.vector_load %run_scoped3A_2[%get3A_298, %get3A_299] {strides = array<i32>} : memref<100x80xi32, #tpu.memory_space<vmem>>, vector<1x16xi32>,
            %get3A_301 = vector.shape_cast %get3A_300 : vector<1x16xi32> to vector<16xi32>
            %shift_left3A_302 = arith.constant 16 : i32
            %shift_left3A_303 = vector.broadcast %shift_left3A_302 : i32 to vector<16xi32>
            %shift_left3A_304 = arith.shli %get3A_301, %shift_left3A_303 : vector<16xi32>
            %bitcast_convert_type3A_305 = tpu.bitcast %shift_left3A_304 : vector<16xi32> -> vector<16xf32>
            %swap3A_306 = arith.index_cast %add3A_253 : i32 to index
            %swap3A_307 = arith.constant 32 : index
            %swap3A_308 = tpu.vector_load %run_scoped3A_4[%swap3A_306, %swap3A_307] {strides = array<i32>} : memref<100x144xf32, #tpu.memory_space<vmem>>, vector<1x16xf32>,
            %swap3A_309 = vector.shape_cast %swap3A_308 : vector<1x16xf32> to vector<16xf32>
            %swap3A_310 = vector.shape_cast %bitcast_convert_type3A_305 : vector<16xf32> to vector<1x16xf32>
            tpu.vector_store %run_scoped3A_4[%swap3A_306, %swap3A_307], %swap3A_310 {strides = array<i32>} : memref<100x144xf32, #tpu.memory_space<vmem>>, vector<1x16xf32>,
            %and3A_311 = arith.constant -65536 : i32
            %and3A_312 = vector.broadcast %and3A_311 : i32 to vector<16xi32>
            %and3A_313 = arith.andi %get3A_301, %and3A_312 : vector<16xi32>
            %bitcast_convert_type3A_314 = tpu.bitcast %and3A_313 : vector<16xi32> -> vector<16xf32>
            %swap3A_315 = arith.index_cast %add3A_253 : i32 to index
            %swap3A_316 = arith.constant 112 : index
            %swap3A_317 = tpu.vector_load %run_scoped3A_4[%swap3A_315, %swap3A_316] {strides = array<i32>} : memref<100x144xf32, #tpu.memory_space<vmem>>, vector<1x16xf32>,
            %swap3A_318 = vector.shape_cast %swap3A_317 : vector<1x16xf32> to vector<16xf32>
            %swap3A_319 = vector.shape_cast %bitcast_convert_type3A_314 : vector<16xf32> to vector<1x16xf32>
            tpu.vector_store %run_scoped3A_4[%swap3A_315, %swap3A_316], %swap3A_319 {strides = array<i32>} : memref<100x144xf32, #tpu.memory_space<vmem>>, vector<1x16xf32>,
            %get3A_320 = arith.index_cast %add3A_253 : i32 to index
            %get3A_321 = arith.constant 48 : index
            %get3A_322 = tpu.vector_load %run_scoped3A_2[%get3A_320, %get3A_321] {strides = array<i32>} : memref<100x80xi32, #tpu.memory_space<vmem>>, vector<1x16xi32>,
            %get3A_323 = vector.shape_cast %get3A_322 : vector<1x16xi32> to vector<16xi32>
            %shift_left3A_324 = arith.constant 16 : i32
            %shift_left3A_325 = vector.broadcast %shift_left3A_324 : i32 to vector<16xi32>
            %shift_left3A_326 = arith.shli %get3A_323, %shift_left3A_325 : vector<16xi32>
            %bitcast_convert_type3A_327 = tpu.bitcast %shift_left3A_326 : vector<16xi32> -> vector<16xf32>
            %swap3A_328 = arith.index_cast %add3A_253 : i32 to index
            %swap3A_329 = arith.constant 48 : index
            %swap3A_330 = tpu.vector_load %run_scoped3A_4[%swap3A_328, %swap3A_329] {strides = array<i32>} : memref<100x144xf32, #tpu.memory_space<vmem>>, vector<1x16xf32>,
            %swap3A_331 = vector.shape_cast %swap3A_330 : vector<1x16xf32> to vector<16xf32>
            %swap3A_332 = vector.shape_cast %bitcast_convert_type3A_327 : vector<16xf32> to vector<1x16xf32>
            tpu.vector_store %run_scoped3A_4[%swap3A_328, %swap3A_329], %swap3A_332 {strides = array<i32>} : memref<100x144xf32, #tpu.memory_space<vmem>>, vector<1x16xf32>,
            %and3A_333 = arith.constant -65536 : i32
            %and3A_334 = vector.broadcast %and3A_333 : i32 to vector<16xi32>
            %and3A_335 = arith.andi %get3A_323, %and3A_334 : vector<16xi32>
            %bitcast_convert_type3A_336 = tpu.bitcast %and3A_335 : vector<16xi32> -> vector<16xf32>
            %swap3A_337 = arith.index_cast %add3A_253 : i32 to index
            %swap3A_338 = arith.constant 128 : index
            %swap3A_339 = tpu.vector_load %run_scoped3A_4[%swap3A_337, %swap3A_338] {strides = array<i32>} : memref<100x144xf32, #tpu.memory_space<vmem>>, vector<1x16xf32>,
            %swap3A_340 = vector.shape_cast %swap3A_339 : vector<1x16xf32> to vector<16xf32>
            %swap3A_341 = vector.shape_cast %bitcast_convert_type3A_336 : vector<16xf32> to vector<1x16xf32>
            tpu.vector_store %run_scoped3A_4[%swap3A_337, %swap3A_338], %swap3A_341 {strides = array<i32>} : memref<100x144xf32, #tpu.memory_space<vmem>>, vector<1x16xf32>,
            %get3A_342 = arith.index_cast %add3A_253 : i32 to index
            %get3A_343 = arith.constant 64 : index
            %get3A_344 = tpu.vector_load %run_scoped3A_2[%get3A_342, %get3A_343] {strides = array<i32>} : memref<100x80xi32, #tpu.memory_space<vmem>>, vector<1x16xi32>,
            %get3A_345 = vector.shape_cast %get3A_344 : vector<1x16xi32> to vector<16xi32>
            %shift_left3A_346 = arith.constant 16 : i32
            %shift_left3A_347 = vector.broadcast %shift_left3A_346 : i32 to vector<16xi32>
            %shift_left3A_348 = arith.shli %get3A_345, %shift_left3A_347 : vector<16xi32>
            %bitcast_convert_type3A_349 = tpu.bitcast %shift_left3A_348 : vector<16xi32> -> vector<16xf32>
            %swap3A_350 = arith.index_cast %add3A_253 : i32 to index
            %swap3A_351 = arith.constant 64 : index
            %swap3A_352 = tpu.vector_load %run_scoped3A_4[%swap3A_350, %swap3A_351] {strides = array<i32>} : memref<100x144xf32, #tpu.memory_space<vmem>>, vector<1x16xf32>,
            %swap3A_353 = vector.shape_cast %swap3A_352 : vector<1x16xf32> to vector<16xf32>
            %swap3A_354 = vector.shape_cast %bitcast_convert_type3A_349 : vector<16xf32> to vector<1x16xf32>
            tpu.vector_store %run_scoped3A_4[%swap3A_350, %swap3A_351], %swap3A_354 {strides = array<i32>} : memref<100x144xf32, #tpu.memory_space<vmem>>, vector<1x16xf32>,
            %scan3A_355 = arith.constant 0 : i32
            scf.yield %scan3A_355 : i32
          }
          %scan3A_107 = arith.constant 50 : i32
          %dma_start3A_108 = arith.constant 0 : i32
          %dma_start3A_109 = tpu.memref_slice %run_scoped3A_1[%mul3A_84, %dma_start3A_108] : memref<50x100xi32, #tpu.memory_space<vmem>> -> memref<1x100xi32, #tpu.memory_space<vmem>>
          %dma_start3A_110 = tpu.memref_squeeze %dma_start3A_109 : memref<1x100xi32, #tpu.memory_space<vmem>> -> memref<100xi32, #tpu.memory_space<vmem>>
          %dma_start3A_111 = arith.constant 0 : i32
          %dma_start3A_112 = arith.constant 0 : i32
          %dma_start3A_113 = tpu.memref_slice %arg6[%dma_start3A_111, %dma_start3A_112] : memref<10000x144xf32, #tpu.memory_space<vmem_shared>> -> memref<10000x144xf32, #tpu.memory_space<vmem_shared>>
          tpu.enqueue_indirect_dma source(%run_scoped3A_4 : memref<100x144xf32, #tpu.memory_space<vmem>>) target(%dma_start3A_113 : memref<10000x144xf32, #tpu.memory_space<vmem_shared>>) offsets(%dma_start3A_110 : memref<100xi32, #tpu.memory_space<vmem>>) semaphore(%run_scoped3A_7 : memref<!tpu.dma_semaphore, #tpu.memory_space<semaphore_mem>>) {add = true}
          %add3A_114 = arith.constant 1 : i32
          %add3A_115 = arith.addi %mul3A_84, %add3A_114 : i32
          %dma_wait3A_116 = arith.constant 0 : i32
          %dma_wait3A_117 = tpu.memref_slice %run_scoped3A[%add3A_115, %dma_wait3A_116] : memref<50x100xi32, #tpu.memory_space<vmem>> -> memref<1x100xi32, #tpu.memory_space<vmem>>
          %dma_wait3A_118 = tpu.memref_squeeze %dma_wait3A_117 : memref<1x100xi32, #tpu.memory_space<vmem>> -> memref<100xi32, #tpu.memory_space<vmem>>
          %dma_wait3A_119 = arith.constant 0 : i32
          %dma_wait3A_120 = arith.constant 0 : i32
          %dma_wait3A_121 = tpu.memref_slice %arg2[%dma_wait3A_119, %dma_wait3A_120] : memref<10000x80xi32, #tpu.memory_space<hbm>> -> memref<10000x80xi32, #tpu.memory_space<hbm>>
          tpu.wait_indirect_dma semaphore(%run_scoped3A_6 : memref<!tpu.dma_semaphore, #tpu.memory_space<semaphore_mem>>) src(%dma_wait3A_121 : memref<10000x80xi32, #tpu.memory_space<hbm>>) dst(%run_scoped3A_3 : memref<100x80xi32, #tpu.memory_space<vmem>>)
          %lt3A = arith.constant 24 : i32
          %lt3A_122 = arith.cmpi slt, %scan3A_81, %lt3A : i32
          %convert_element_type3A_123 = arith.extui %lt3A_122 : i1 to i32
          %cond3A_124 = arith.constant 0 : i32
          %cond3A_125 = arith.cmpi ne, %convert_element_type3A_123, %cond3A_124 : i32
          scf.if %cond3A_125 {
            %add3A_148 = arith.constant 2 : i32
            %add3A_149 = arith.addi %mul3A_84, %add3A_148 : i32
            %dma_start3A_150 = arith.constant 0 : i32
            %dma_start3A_151 = tpu.memref_slice %run_scoped3A[%add3A_149, %dma_start3A_150] : memref<50x100xi32, #tpu.memory_space<vmem>> -> memref<1x100xi32, #tpu.memory_space<vmem>>
            %dma_start3A_152 = tpu.memref_squeeze %dma_start3A_151 : memref<1x100xi32, #tpu.memory_space<vmem>> -> memref<100xi32, #tpu.memory_space<vmem>>
            %dma_start3A_153 = arith.constant 0 : i32
            %dma_start3A_154 = arith.constant 0 : i32
            %dma_start3A_155 = tpu.memref_slice %arg2[%dma_start3A_153, %dma_start3A_154] : memref<10000x80xi32, #tpu.memory_space<hbm>> -> memref<10000x80xi32, #tpu.memory_space<hbm>>
            tpu.enqueue_indirect_dma source(%dma_start3A_155 : memref<10000x80xi32, #tpu.memory_space<hbm>>) target(%run_scoped3A_2 : memref<100x80xi32, #tpu.memory_space<vmem>>) offsets(%dma_start3A_152 : memref<100xi32, #tpu.memory_space<vmem>>) semaphore(%run_scoped3A_5 : memref<!tpu.dma_semaphore, #tpu.memory_space<semaphore_mem>>)
          } else {
          }
          %dma_wait3A_126 = arith.constant 0 : i32
          %dma_wait3A_127 = tpu.memref_slice %run_scoped3A_1[%mul3A_84, %dma_wait3A_126] : memref<50x100xi32, #tpu.memory_space<vmem>> -> memref<1x100xi32, #tpu.memory_space<vmem>>
          %dma_wait3A_128 = tpu.memref_squeeze %dma_wait3A_127 : memref<1x100xi32, #tpu.memory_space<vmem>> -> memref<100xi32, #tpu.memory_space<vmem>>
          %dma_wait3A_129 = arith.constant 0 : i32
          %dma_wait3A_130 = arith.constant 0 : i32
          %dma_wait3A_131 = tpu.memref_slice %arg6[%dma_wait3A_129, %dma_wait3A_130] : memref<10000x144xf32, #tpu.memory_space<vmem_shared>> -> memref<10000x144xf32, #tpu.memory_space<vmem_shared>>
          tpu.wait_indirect_dma semaphore(%run_scoped3A_7 : memref<!tpu.dma_semaphore, #tpu.memory_space<semaphore_mem>>) src(%run_scoped3A_4 : memref<100x144xf32, #tpu.memory_space<vmem>>) dst(%dma_wait3A_131 : memref<10000x144xf32, #tpu.memory_space<vmem_shared>>)
          %scan3A_132 = arith.constant 0 : i32
          %scan3A_133 = arith.constant 0 : i32
          %scan3A_134 = arith.constant 50 : i32
          %scan3A_135 = arith.addi %scan3A_133, %scan3A_134 : i32
          %scan3A_136 = arith.constant 1 : i32
          %scan3A_137 = scf.for %scan3A_148 = %scan3A_133 to %scan3A_135 step %scan3A_136 iter_args(%scan3A_149 = %scan3A_132) -> (i32)  : i32 {
            %mul3A_150 = arith.constant 2 : i32
            %mul3A_151 = arith.muli %mul3A_150, %scan3A_148 : i32
            %add3A_152 = arith.constant 0 : i32
            %add3A_153 = arith.addi %mul3A_151, %add3A_152 : i32
            %get3A = arith.index_cast %add3A_153 : i32 to index
            %get3A_154 = arith.constant 0 : index
            %get3A_155 = tpu.vector_load %run_scoped3A_3[%get3A, %get3A_154] {strides = array<i32>} : memref<100x80xi32, #tpu.memory_space<vmem>>, vector<1x16xi32>,
            %get3A_156 = vector.shape_cast %get3A_155 : vector<1x16xi32> to vector<16xi32>
            %shift_left3A = arith.constant 16 : i32
            %shift_left3A_157 = vector.broadcast %shift_left3A : i32 to vector<16xi32>
            %shift_left3A_158 = arith.shli %get3A_156, %shift_left3A_157 : vector<16xi32>
            %bitcast_convert_type3A = tpu.bitcast %shift_left3A_158 : vector<16xi32> -> vector<16xf32>
            %swap3A = arith.index_cast %add3A_153 : i32 to index
            %swap3A_159 = arith.constant 0 : index
            %swap3A_160 = tpu.vector_load %run_scoped3A_4[%swap3A, %swap3A_159] {strides = array<i32>} : memref<100x144xf32, #tpu.memory_space<vmem>>, vector<1x16xf32>,
            %swap3A_161 = vector.shape_cast %swap3A_160 : vector<1x16xf32> to vector<16xf32>
            %swap3A_162 = vector.shape_cast %bitcast_convert_type3A : vector<16xf32> to vector<1x16xf32>
            tpu.vector_store %run_scoped3A_4[%swap3A, %swap3A_159], %swap3A_162 {strides = array<i32>} : memref<100x144xf32, #tpu.memory_space<vmem>>, vector<1x16xf32>,
            %and3A = arith.constant -65536 : i32
            %and3A_163 = vector.broadcast %and3A : i32 to vector<16xi32>
            %and3A_164 = arith.andi %get3A_156, %and3A_163 : vector<16xi32>
            %bitcast_convert_type3A_165 = tpu.bitcast %and3A_164 : vector<16xi32> -> vector<16xf32>
            %swap3A_166 = arith.index_cast %add3A_153 : i32 to index
            %swap3A_167 = arith.constant 80 : index
            %swap3A_168 = tpu.vector_load %run_scoped3A_4[%swap3A_166, %swap3A_167] {strides = array<i32>} : memref<100x144xf32, #tpu.memory_space<vmem>>, vector<1x16xf32>,
            %swap3A_169 = vector.shape_cast %swap3A_168 : vector<1x16xf32> to vector<16xf32>
            %swap3A_170 = vector.shape_cast %bitcast_convert_type3A_165 : vector<16xf32> to vector<1x16xf32>
            tpu.vector_store %run_scoped3A_4[%swap3A_166, %swap3A_167], %swap3A_170 {strides = array<i32>} : memref<100x144xf32, #tpu.memory_space<vmem>>, vector<1x16xf32>,
            %get3A_171 = arith.index_cast %add3A_153 : i32 to index
            %get3A_172 = arith.constant 16 : index
            %get3A_173 = tpu.vector_load %run_scoped3A_3[%get3A_171, %get3A_172] {strides = array<i32>} : memref<100x80xi32, #tpu.memory_space<vmem>>, vector<1x16xi32>,
            %get3A_174 = vector.shape_cast %get3A_173 : vector<1x16xi32> to vector<16xi32>
            %shift_left3A_175 = arith.constant 16 : i32
            %shift_left3A_176 = vector.broadcast %shift_left3A_175 : i32 to vector<16xi32>
            %shift_left3A_177 = arith.shli %get3A_174, %shift_left3A_176 : vector<16xi32>
            %bitcast_convert_type3A_178 = tpu.bitcast %shift_left3A_177 : vector<16xi32> -> vector<16xf32>
            %swap3A_179 = arith.index_cast %add3A_153 : i32 to index
            %swap3A_180 = arith.constant 16 : index
            %swap3A_181 = tpu.vector_load %run_scoped3A_4[%swap3A_179, %swap3A_180] {strides = array<i32>} : memref<100x144xf32, #tpu.memory_space<vmem>>, vector<1x16xf32>,
            %swap3A_182 = vector.shape_cast %swap3A_181 : vector<1x16xf32> to vector<16xf32>
            %swap3A_183 = vector.shape_cast %bitcast_convert_type3A_178 : vector<16xf32> to vector<1x16xf32>
            tpu.vector_store %run_scoped3A_4[%swap3A_179, %swap3A_180], %swap3A_183 {strides = array<i32>} : memref<100x144xf32, #tpu.memory_space<vmem>>, vector<1x16xf32>,
            %and3A_184 = arith.constant -65536 : i32
            %and3A_185 = vector.broadcast %and3A_184 : i32 to vector<16xi32>
            %and3A_186 = arith.andi %get3A_174, %and3A_185 : vector<16xi32>
            %bitcast_convert_type3A_187 = tpu.bitcast %and3A_186 : vector<16xi32> -> vector<16xf32>
            %swap3A_188 = arith.index_cast %add3A_153 : i32 to index
            %swap3A_189 = arith.constant 96 : index
            %swap3A_190 = tpu.vector_load %run_scoped3A_4[%swap3A_188, %swap3A_189] {strides = array<i32>} : memref<100x144xf32, #tpu.memory_space<vmem>>, vector<1x16xf32>,
            %swap3A_191 = vector.shape_cast %swap3A_190 : vector<1x16xf32> to vector<16xf32>
            %swap3A_192 = vector.shape_cast %bitcast_convert_type3A_187 : vector<16xf32> to vector<1x16xf32>
            tpu.vector_store %run_scoped3A_4[%swap3A_188, %swap3A_189], %swap3A_192 {strides = array<i32>} : memref<100x144xf32, #tpu.memory_space<vmem>>, vector<1x16xf32>,
            %get3A_193 = arith.index_cast %add3A_153 : i32 to index
            %get3A_194 = arith.constant 32 : index
            %get3A_195 = tpu.vector_load %run_scoped3A_3[%get3A_193, %get3A_194] {strides = array<i32>} : memref<100x80xi32, #tpu.memory_space<vmem>>, vector<1x16xi32>,
            %get3A_196 = vector.shape_cast %get3A_195 : vector<1x16xi32> to vector<16xi32>
            %shift_left3A_197 = arith.constant 16 : i32
            %shift_left3A_198 = vector.broadcast %shift_left3A_197 : i32 to vector<16xi32>
            %shift_left3A_199 = arith.shli %get3A_196, %shift_left3A_198 : vector<16xi32>
            %bitcast_convert_type3A_200 = tpu.bitcast %shift_left3A_199 : vector<16xi32> -> vector<16xf32>
            %swap3A_201 = arith.index_cast %add3A_153 : i32 to index
            %swap3A_202 = arith.constant 32 : index
            %swap3A_203 = tpu.vector_load %run_scoped3A_4[%swap3A_201, %swap3A_202] {strides = array<i32>} : memref<100x144xf32, #tpu.memory_space<vmem>>, vector<1x16xf32>,
            %swap3A_204 = vector.shape_cast %swap3A_203 : vector<1x16xf32> to vector<16xf32>
            %swap3A_205 = vector.shape_cast %bitcast_convert_type3A_200 : vector<16xf32> to vector<1x16xf32>
            tpu.vector_store %run_scoped3A_4[%swap3A_201, %swap3A_202], %swap3A_205 {strides = array<i32>} : memref<100x144xf32, #tpu.memory_space<vmem>>, vector<1x16xf32>,
            %and3A_206 = arith.constant -65536 : i32
            %and3A_207 = vector.broadcast %and3A_206 : i32 to vector<16xi32>
            %and3A_208 = arith.andi %get3A_196, %and3A_207 : vector<16xi32>
            %bitcast_convert_type3A_209 = tpu.bitcast %and3A_208 : vector<16xi32> -> vector<16xf32>
            %swap3A_210 = arith.index_cast %add3A_153 : i32 to index
            %swap3A_211 = arith.constant 112 : index
            %swap3A_212 = tpu.vector_load %run_scoped3A_4[%swap3A_210, %swap3A_211] {strides = array<i32>} : memref<100x144xf32, #tpu.memory_space<vmem>>, vector<1x16xf32>,
            %swap3A_213 = vector.shape_cast %swap3A_212 : vector<1x16xf32> to vector<16xf32>
            %swap3A_214 = vector.shape_cast %bitcast_convert_type3A_209 : vector<16xf32> to vector<1x16xf32>
            tpu.vector_store %run_scoped3A_4[%swap3A_210, %swap3A_211], %swap3A_214 {strides = array<i32>} : memref<100x144xf32, #tpu.memory_space<vmem>>, vector<1x16xf32>,
            %get3A_215 = arith.index_cast %add3A_153 : i32 to index
            %get3A_216 = arith.constant 48 : index
            %get3A_217 = tpu.vector_load %run_scoped3A_3[%get3A_215, %get3A_216] {strides = array<i32>} : memref<100x80xi32, #tpu.memory_space<vmem>>, vector<1x16xi32>,
            %get3A_218 = vector.shape_cast %get3A_217 : vector<1x16xi32> to vector<16xi32>
            %shift_left3A_219 = arith.constant 16 : i32
            %shift_left3A_220 = vector.broadcast %shift_left3A_219 : i32 to vector<16xi32>
            %shift_left3A_221 = arith.shli %get3A_218, %shift_left3A_220 : vector<16xi32>
            %bitcast_convert_type3A_222 = tpu.bitcast %shift_left3A_221 : vector<16xi32> -> vector<16xf32>
            %swap3A_223 = arith.index_cast %add3A_153 : i32 to index
            %swap3A_224 = arith.constant 48 : index
            %swap3A_225 = tpu.vector_load %run_scoped3A_4[%swap3A_223, %swap3A_224] {strides = array<i32>} : memref<100x144xf32, #tpu.memory_space<vmem>>, vector<1x16xf32>,
            %swap3A_226 = vector.shape_cast %swap3A_225 : vector<1x16xf32> to vector<16xf32>
            %swap3A_227 = vector.shape_cast %bitcast_convert_type3A_222 : vector<16xf32> to vector<1x16xf32>
            tpu.vector_store %run_scoped3A_4[%swap3A_223, %swap3A_224], %swap3A_227 {strides = array<i32>} : memref<100x144xf32, #tpu.memory_space<vmem>>, vector<1x16xf32>,
            %and3A_228 = arith.constant -65536 : i32
            %and3A_229 = vector.broadcast %and3A_228 : i32 to vector<16xi32>
            %and3A_230 = arith.andi %get3A_218, %and3A_229 : vector<16xi32>
            %bitcast_convert_type3A_231 = tpu.bitcast %and3A_230 : vector<16xi32> -> vector<16xf32>
            %swap3A_232 = arith.index_cast %add3A_153 : i32 to index
            %swap3A_233 = arith.constant 128 : index
            %swap3A_234 = tpu.vector_load %run_scoped3A_4[%swap3A_232, %swap3A_233] {strides = array<i32>} : memref<100x144xf32, #tpu.memory_space<vmem>>, vector<1x16xf32>,
            %swap3A_235 = vector.shape_cast %swap3A_234 : vector<1x16xf32> to vector<16xf32>
            %swap3A_236 = vector.shape_cast %bitcast_convert_type3A_231 : vector<16xf32> to vector<1x16xf32>
            tpu.vector_store %run_scoped3A_4[%swap3A_232, %swap3A_233], %swap3A_236 {strides = array<i32>} : memref<100x144xf32, #tpu.memory_space<vmem>>, vector<1x16xf32>,
            %get3A_237 = arith.index_cast %add3A_153 : i32 to index
            %get3A_238 = arith.constant 64 : index
            %get3A_239 = tpu.vector_load %run_scoped3A_3[%get3A_237, %get3A_238] {strides = array<i32>} : memref<100x80xi32, #tpu.memory_space<vmem>>, vector<1x16xi32>,
            %get3A_240 = vector.shape_cast %get3A_239 : vector<1x16xi32> to vector<16xi32>
            %shift_left3A_241 = arith.constant 16 : i32
            %shift_left3A_242 = vector.broadcast %shift_left3A_241 : i32 to vector<16xi32>
            %shift_left3A_243 = arith.shli %get3A_240, %shift_left3A_242 : vector<16xi32>
            %bitcast_convert_type3A_244 = tpu.bitcast %shift_left3A_243 : vector<16xi32> -> vector<16xf32>
            %swap3A_245 = arith.index_cast %add3A_153 : i32 to index
            %swap3A_246 = arith.constant 64 : index
            %swap3A_247 = tpu.vector_load %run_scoped3A_4[%swap3A_245, %swap3A_246] {strides = array<i32>} : memref<100x144xf32, #tpu.memory_space<vmem>>, vector<1x16xf32>,
            %swap3A_248 = vector.shape_cast %swap3A_247 : vector<1x16xf32> to vector<16xf32>
            %swap3A_249 = vector.shape_cast %bitcast_convert_type3A_244 : vector<16xf32> to vector<1x16xf32>
            tpu.vector_store %run_scoped3A_4[%swap3A_245, %swap3A_246], %swap3A_249 {strides = array<i32>} : memref<100x144xf32, #tpu.memory_space<vmem>>, vector<1x16xf32>,
            %mul3A_250 = arith.constant 2 : i32
            %mul3A_251 = arith.muli %mul3A_250, %scan3A_148 : i32
            %add3A_252 = arith.constant 1 : i32
            %add3A_253 = arith.addi %mul3A_251, %add3A_252 : i32
            %get3A_254 = arith.index_cast %add3A_253 : i32 to index
            %get3A_255 = arith.constant 0 : index
            %get3A_256 = tpu.vector_load %run_scoped3A_3[%get3A_254, %get3A_255] {strides = array<i32>} : memref<100x80xi32, #tpu.memory_space<vmem>>, vector<1x16xi32>,
            %get3A_257 = vector.shape_cast %get3A_256 : vector<1x16xi32> to vector<16xi32>
            %shift_left3A_258 = arith.constant 16 : i32
            %shift_left3A_259 = vector.broadcast %shift_left3A_258 : i32 to vector<16xi32>
            %shift_left3A_260 = arith.shli %get3A_257, %shift_left3A_259 : vector<16xi32>
            %bitcast_convert_type3A_261 = tpu.bitcast %shift_left3A_260 : vector<16xi32> -> vector<16xf32>
            %swap3A_262 = arith.index_cast %add3A_253 : i32 to index
            %swap3A_263 = arith.constant 0 : index
            %swap3A_264 = tpu.vector_load %run_scoped3A_4[%swap3A_262, %swap3A_263] {strides = array<i32>} : memref<100x144xf32, #tpu.memory_space<vmem>>, vector<1x16xf32>,
            %swap3A_265 = vector.shape_cast %swap3A_264 : vector<1x16xf32> to vector<16xf32>
            %swap3A_266 = vector.shape_cast %bitcast_convert_type3A_261 : vector<16xf32> to vector<1x16xf32>
            tpu.vector_store %run_scoped3A_4[%swap3A_262, %swap3A_263], %swap3A_266 {strides = array<i32>} : memref<100x144xf32, #tpu.memory_space<vmem>>, vector<1x16xf32>,
            %and3A_267 = arith.constant -65536 : i32
            %and3A_268 = vector.broadcast %and3A_267 : i32 to vector<16xi32>
            %and3A_269 = arith.andi %get3A_257, %and3A_268 : vector<16xi32>
            %bitcast_convert_type3A_270 = tpu.bitcast %and3A_269 : vector<16xi32> -> vector<16xf32>
            %swap3A_271 = arith.index_cast %add3A_253 : i32 to index
            %swap3A_272 = arith.constant 80 : index
            %swap3A_273 = tpu.vector_load %run_scoped3A_4[%swap3A_271, %swap3A_272] {strides = array<i32>} : memref<100x144xf32, #tpu.memory_space<vmem>>, vector<1x16xf32>,
            %swap3A_274 = vector.shape_cast %swap3A_273 : vector<1x16xf32> to vector<16xf32>
            %swap3A_275 = vector.shape_cast %bitcast_convert_type3A_270 : vector<16xf32> to vector<1x16xf32>
            tpu.vector_store %run_scoped3A_4[%swap3A_271, %swap3A_272], %swap3A_275 {strides = array<i32>} : memref<100x144xf32, #tpu.memory_space<vmem>>, vector<1x16xf32>,
            %get3A_276 = arith.index_cast %add3A_253 : i32 to index
            %get3A_277 = arith.constant 16 : index
            %get3A_278 = tpu.vector_load %run_scoped3A_3[%get3A_276, %get3A_277] {strides = array<i32>} : memref<100x80xi32, #tpu.memory_space<vmem>>, vector<1x16xi32>,
            %get3A_279 = vector.shape_cast %get3A_278 : vector<1x16xi32> to vector<16xi32>
            %shift_left3A_280 = arith.constant 16 : i32
            %shift_left3A_281 = vector.broadcast %shift_left3A_280 : i32 to vector<16xi32>
            %shift_left3A_282 = arith.shli %get3A_279, %shift_left3A_281 : vector<16xi32>
            %bitcast_convert_type3A_283 = tpu.bitcast %shift_left3A_282 : vector<16xi32> -> vector<16xf32>
            %swap3A_284 = arith.index_cast %add3A_253 : i32 to index
            %swap3A_285 = arith.constant 16 : index
            %swap3A_286 = tpu.vector_load %run_scoped3A_4[%swap3A_284, %swap3A_285] {strides = array<i32>} : memref<100x144xf32, #tpu.memory_space<vmem>>, vector<1x16xf32>,
            %swap3A_287 = vector.shape_cast %swap3A_286 : vector<1x16xf32> to vector<16xf32>
            %swap3A_288 = vector.shape_cast %bitcast_convert_type3A_283 : vector<16xf32> to vector<1x16xf32>
            tpu.vector_store %run_scoped3A_4[%swap3A_284, %swap3A_285], %swap3A_288 {strides = array<i32>} : memref<100x144xf32, #tpu.memory_space<vmem>>, vector<1x16xf32>,
            %and3A_289 = arith.constant -65536 : i32
            %and3A_290 = vector.broadcast %and3A_289 : i32 to vector<16xi32>
            %and3A_291 = arith.andi %get3A_279, %and3A_290 : vector<16xi32>
            %bitcast_convert_type3A_292 = tpu.bitcast %and3A_291 : vector<16xi32> -> vector<16xf32>
            %swap3A_293 = arith.index_cast %add3A_253 : i32 to index
            %swap3A_294 = arith.constant 96 : index
            %swap3A_295 = tpu.vector_load %run_scoped3A_4[%swap3A_293, %swap3A_294] {strides = array<i32>} : memref<100x144xf32, #tpu.memory_space<vmem>>, vector<1x16xf32>,
            %swap3A_296 = vector.shape_cast %swap3A_295 : vector<1x16xf32> to vector<16xf32>
            %swap3A_297 = vector.shape_cast %bitcast_convert_type3A_292 : vector<16xf32> to vector<1x16xf32>
            tpu.vector_store %run_scoped3A_4[%swap3A_293, %swap3A_294], %swap3A_297 {strides = array<i32>} : memref<100x144xf32, #tpu.memory_space<vmem>>, vector<1x16xf32>,
            %get3A_298 = arith.index_cast %add3A_253 : i32 to index
            %get3A_299 = arith.constant 32 : index
            %get3A_300 = tpu.vector_load %run_scoped3A_3[%get3A_298, %get3A_299] {strides = array<i32>} : memref<100x80xi32, #tpu.memory_space<vmem>>, vector<1x16xi32>,
            %get3A_301 = vector.shape_cast %get3A_300 : vector<1x16xi32> to vector<16xi32>
            %shift_left3A_302 = arith.constant 16 : i32
            %shift_left3A_303 = vector.broadcast %shift_left3A_302 : i32 to vector<16xi32>
            %shift_left3A_304 = arith.shli %get3A_301, %shift_left3A_303 : vector<16xi32>
            %bitcast_convert_type3A_305 = tpu.bitcast %shift_left3A_304 : vector<16xi32> -> vector<16xf32>
            %swap3A_306 = arith.index_cast %add3A_253 : i32 to index
            %swap3A_307 = arith.constant 32 : index
            %swap3A_308 = tpu.vector_load %run_scoped3A_4[%swap3A_306, %swap3A_307] {strides = array<i32>} : memref<100x144xf32, #tpu.memory_space<vmem>>, vector<1x16xf32>,
            %swap3A_309 = vector.shape_cast %swap3A_308 : vector<1x16xf32> to vector<16xf32>
            %swap3A_310 = vector.shape_cast %bitcast_convert_type3A_305 : vector<16xf32> to vector<1x16xf32>
            tpu.vector_store %run_scoped3A_4[%swap3A_306, %swap3A_307], %swap3A_310 {strides = array<i32>} : memref<100x144xf32, #tpu.memory_space<vmem>>, vector<1x16xf32>,
            %and3A_311 = arith.constant -65536 : i32
            %and3A_312 = vector.broadcast %and3A_311 : i32 to vector<16xi32>
            %and3A_313 = arith.andi %get3A_301, %and3A_312 : vector<16xi32>
            %bitcast_convert_type3A_314 = tpu.bitcast %and3A_313 : vector<16xi32> -> vector<16xf32>
            %swap3A_315 = arith.index_cast %add3A_253 : i32 to index
            %swap3A_316 = arith.constant 112 : index
            %swap3A_317 = tpu.vector_load %run_scoped3A_4[%swap3A_315, %swap3A_316] {strides = array<i32>} : memref<100x144xf32, #tpu.memory_space<vmem>>, vector<1x16xf32>,
            %swap3A_318 = vector.shape_cast %swap3A_317 : vector<1x16xf32> to vector<16xf32>
            %swap3A_319 = vector.shape_cast %bitcast_convert_type3A_314 : vector<16xf32> to vector<1x16xf32>
            tpu.vector_store %run_scoped3A_4[%swap3A_315, %swap3A_316], %swap3A_319 {strides = array<i32>} : memref<100x144xf32, #tpu.memory_space<vmem>>, vector<1x16xf32>,
            %get3A_320 = arith.index_cast %add3A_253 : i32 to index
            %get3A_321 = arith.constant 48 : index
            %get3A_322 = tpu.vector_load %run_scoped3A_3[%get3A_320, %get3A_321] {strides = array<i32>} : memref<100x80xi32, #tpu.memory_space<vmem>>, vector<1x16xi32>,
            %get3A_323 = vector.shape_cast %get3A_322 : vector<1x16xi32> to vector<16xi32>
            %shift_left3A_324 = arith.constant 16 : i32
            %shift_left3A_325 = vector.broadcast %shift_left3A_324 : i32 to vector<16xi32>
            %shift_left3A_326 = arith.shli %get3A_323, %shift_left3A_325 : vector<16xi32>
            %bitcast_convert_type3A_327 = tpu.bitcast %shift_left3A_326 : vector<16xi32> -> vector<16xf32>
            %swap3A_328 = arith.index_cast %add3A_253 : i32 to index
            %swap3A_329 = arith.constant 48 : index
            %swap3A_330 = tpu.vector_load %run_scoped3A_4[%swap3A_328, %swap3A_329] {strides = array<i32>} : memref<100x144xf32, #tpu.memory_space<vmem>>, vector<1x16xf32>,
            %swap3A_331 = vector.shape_cast %swap3A_330 : vector<1x16xf32> to vector<16xf32>
            %swap3A_332 = vector.shape_cast %bitcast_convert_type3A_327 : vector<16xf32> to vector<1x16xf32>
            tpu.vector_store %run_scoped3A_4[%swap3A_328, %swap3A_329], %swap3A_332 {strides = array<i32>} : memref<100x144xf32, #tpu.memory_space<vmem>>, vector<1x16xf32>,
            %and3A_333 = arith.constant -65536 : i32
            %and3A_334 = vector.broadcast %and3A_333 : i32 to vector<16xi32>
            %and3A_335 = arith.andi %get3A_323, %and3A_334 : vector<16xi32>
            %bitcast_convert_type3A_336 = tpu.bitcast %and3A_335 : vector<16xi32> -> vector<16xf32>
            %swap3A_337 = arith.index_cast %add3A_253 : i32 to index
            %swap3A_338 = arith.constant 128 : index
            %swap3A_339 = tpu.vector_load %run_scoped3A_4[%swap3A_337, %swap3A_338] {strides = array<i32>} : memref<100x144xf32, #tpu.memory_space<vmem>>, vector<1x16xf32>,
            %swap3A_340 = vector.shape_cast %swap3A_339 : vector<1x16xf32> to vector<16xf32>
            %swap3A_341 = vector.shape_cast %bitcast_convert_type3A_336 : vector<16xf32> to vector<1x16xf32>
            tpu.vector_store %run_scoped3A_4[%swap3A_337, %swap3A_338], %swap3A_341 {strides = array<i32>} : memref<100x144xf32, #tpu.memory_space<vmem>>, vector<1x16xf32>,
            %get3A_342 = arith.index_cast %add3A_253 : i32 to index
            %get3A_343 = arith.constant 64 : index
            %get3A_344 = tpu.vector_load %run_scoped3A_3[%get3A_342, %get3A_343] {strides = array<i32>} : memref<100x80xi32, #tpu.memory_space<vmem>>, vector<1x16xi32>,
            %get3A_345 = vector.shape_cast %get3A_344 : vector<1x16xi32> to vector<16xi32>
            %shift_left3A_346 = arith.constant 16 : i32
            %shift_left3A_347 = vector.broadcast %shift_left3A_346 : i32 to vector<16xi32>
            %shift_left3A_348 = arith.shli %get3A_345, %shift_left3A_347 : vector<16xi32>
            %bitcast_convert_type3A_349 = tpu.bitcast %shift_left3A_348 : vector<16xi32> -> vector<16xf32>
            %swap3A_350 = arith.index_cast %add3A_253 : i32 to index
            %swap3A_351 = arith.constant 64 : index
            %swap3A_352 = tpu.vector_load %run_scoped3A_4[%swap3A_350, %swap3A_351] {strides = array<i32>} : memref<100x144xf32, #tpu.memory_space<vmem>>, vector<1x16xf32>,
            %swap3A_353 = vector.shape_cast %swap3A_352 : vector<1x16xf32> to vector<16xf32>
            %swap3A_354 = vector.shape_cast %bitcast_convert_type3A_349 : vector<16xf32> to vector<1x16xf32>
            tpu.vector_store %run_scoped3A_4[%swap3A_350, %swap3A_351], %swap3A_354 {strides = array<i32>} : memref<100x144xf32, #tpu.memory_space<vmem>>, vector<1x16xf32>,
            %scan3A_355 = arith.constant 0 : i32
            scf.yield %scan3A_355 : i32
          }
          %scan3A_138 = arith.constant 50 : i32
          %add3A_139 = arith.constant 1 : i32
          %add3A_140 = arith.addi %mul3A_84, %add3A_139 : i32
          %dma_start3A_141 = arith.constant 0 : i32
          %dma_start3A_142 = tpu.memref_slice %run_scoped3A_1[%add3A_140, %dma_start3A_141] : memref<50x100xi32, #tpu.memory_space<vmem>> -> memref<1x100xi32, #tpu.memory_space<vmem>>
          %dma_start3A_143 = tpu.memref_squeeze %dma_start3A_142 : memref<1x100xi32, #tpu.memory_space<vmem>> -> memref<100xi32, #tpu.memory_space<vmem>>
          %dma_start3A_144 = arith.constant 0 : i32
          %dma_start3A_145 = arith.constant 0 : i32
          %dma_start3A_146 = tpu.memref_slice %arg6[%dma_start3A_144, %dma_start3A_145] : memref<10000x144xf32, #tpu.memory_space<vmem_shared>> -> memref<10000x144xf32, #tpu.memory_space<vmem_shared>>
          tpu.enqueue_indirect_dma source(%run_scoped3A_4 : memref<100x144xf32, #tpu.memory_space<vmem>>) target(%dma_start3A_146 : memref<10000x144xf32, #tpu.memory_space<vmem_shared>>) offsets(%dma_start3A_143 : memref<100xi32, #tpu.memory_space<vmem>>) semaphore(%run_scoped3A_7 : memref<!tpu.dma_semaphore, #tpu.memory_space<semaphore_mem>>) {add = true}
          %scan3A_147 = arith.constant 0 : i32
          scf.yield %scan3A_147 : i32
        }
        %scan3A_73 = arith.constant 25 : i32
        %dma_wait3A = arith.constant 49 : i32
        %dma_wait3A_74 = arith.constant 0 : i32
        %dma_wait3A_75 = tpu.memref_slice %run_scoped3A_1[%dma_wait3A, %dma_wait3A_74] : memref<50x100xi32, #tpu.memory_space<vmem>> -> memref<1x100xi32, #tpu.memory_space<vmem>>
        %dma_wait3A_76 = tpu.memref_squeeze %dma_wait3A_75 : memref<1x100xi32, #tpu.memory_space<vmem>> -> memref<100xi32, #tpu.memory_space<vmem>>
        %dma_wait3A_77 = arith.constant 0 : i32
        %dma_wait3A_78 = arith.constant 0 : i32
        %dma_wait3A_79 = tpu.memref_slice %arg6[%dma_wait3A_77, %dma_wait3A_78] : memref<10000x144xf32, #tpu.memory_space<vmem_shared>> -> memref<10000x144xf32, #tpu.memory_space<vmem_shared>>
        tpu.wait_indirect_dma semaphore(%run_scoped3A_7 : memref<!tpu.dma_semaphore, #tpu.memory_space<semaphore_mem>>) src(%run_scoped3A_4 : memref<100x144xf32, #tpu.memory_space<vmem>>) dst(%dma_wait3A_79 : memref<10000x144xf32, #tpu.memory_space<vmem_shared>>)
        %scan3A_80 = arith.constant 0 : i32
        scf.yield %scan3A_80 : i32
      }
      %scan3A_36 = arith.constant 2 : i32
      %barrier3A_37 = arith.constant 0 : index
      tpu.barrier barrier_id(%barrier3A_37)
      %mul3A_38 = arith.constant 625 : i32
      %mul3A_39 = arith.muli %arg1, %mul3A_38 : i32
      "tpu.region"() ({
        %run_scoped3A_54 = tpu.sem_alloc : memref<!tpu.dma_semaphore, #tpu.memory_space<semaphore_mem>>
        %dma_start3A = arith.constant 0 : i32
        %dma_start3A_55 = arith.constant 0 : i32
        %dma_start3A_56 = tpu.memref_slice %run_scoped3A_4[%dma_start3A, %dma_start3A_55] : memref<100x144xf32, #tpu.memory_space<vmem>> -> memref<100x144xf32, #tpu.memory_space<vmem>>
        %dma_start3A_57 = arith.constant 0 : i32
        %dma_start3A_58 = tpu.memref_slice %arg6[%mul3A_39, %dma_start3A_57] : memref<10000x144xf32, #tpu.memory_space<vmem_shared>> -> memref<100x144xf32, #tpu.memory_space<vmem_shared>>
        %dma_start3A_59 = arith.constant 0 : i32
        %dma_start3A_60 = arith.constant 0 : i32
        %dma_start3A_61 = tpu.memref_slice %run_scoped3A_4[%dma_start3A_59, %dma_start3A_60] : memref<100x144xf32, #tpu.memory_space<vmem>> -> memref<100x144xf32, #tpu.memory_space<vmem>>
        %dma_start3A_62 = arith.constant 0 : i32
        %dma_start3A_63 = tpu.memref_slice %arg6[%mul3A_39, %dma_start3A_62] : memref<10000x144xf32, #tpu.memory_space<vmem_shared>> -> memref<100x144xf32, #tpu.memory_space<vmem_shared>>
        tpu.enqueue_dma source(%dma_start3A_63 : memref<100x144xf32, #tpu.memory_space<vmem_shared>>) target(%dma_start3A_61 : memref<100x144xf32, #tpu.memory_space<vmem>>) target_semaphore(%run_scoped3A_54 : memref<!tpu.dma_semaphore, #tpu.memory_space<semaphore_mem>>)
        %dma_wait3A = arith.constant 0 : i32
        %dma_wait3A_64 = arith.constant 0 : i32
        %dma_wait3A_65 = tpu.memref_slice %run_scoped3A_4[%dma_wait3A, %dma_wait3A_64] : memref<100x144xf32, #tpu.memory_space<vmem>> -> memref<100x144xf32, #tpu.memory_space<vmem>>
        %dma_wait3A_66 = arith.constant 0 : i32
        %dma_wait3A_67 = tpu.memref_slice %arg6[%mul3A_39, %dma_wait3A_66] : memref<10000x144xf32, #tpu.memory_space<vmem_shared>> -> memref<100x144xf32, #tpu.memory_space<vmem_shared>>
        %dma_wait3A_68 = arith.constant 0 : i32
        %dma_wait3A_69 = arith.constant 0 : i32
        %dma_wait3A_70 = tpu.memref_slice %run_scoped3A_4[%dma_wait3A_68, %dma_wait3A_69] : memref<100x144xf32, #tpu.memory_space<vmem>> -> memref<100x144xf32, #tpu.memory_space<vmem>>
        %dma_wait3A_71 = arith.constant 0 : i32
        %dma_wait3A_72 = tpu.memref_slice %arg6[%mul3A_39, %dma_wait3A_71] : memref<10000x144xf32, #tpu.memory_space<vmem_shared>> -> memref<100x144xf32, #tpu.memory_space<vmem_shared>>
        tpu.wait_dma2 semaphore(%run_scoped3A_54 : memref<!tpu.dma_semaphore, #tpu.memory_space<semaphore_mem>>) src(%dma_wait3A_72 : memref<100x144xf32, #tpu.memory_space<vmem_shared>>) dst(%dma_wait3A_70 : memref<100x144xf32, #tpu.memory_space<vmem>>)
        tpu.yield
      }) : () -> ()
      "tpu.region"() ({
        %run_scoped3A_54 = tpu.sem_alloc : memref<!tpu.dma_semaphore, #tpu.memory_space<semaphore_mem>>
        %dma_start3A = arith.constant 0 : i32
        %dma_start3A_55 = arith.constant 0 : i32
        %dma_start3A_56 = tpu.memref_slice %run_scoped3A_4[%dma_start3A, %dma_start3A_55] : memref<100x144xf32, #tpu.memory_space<vmem>> -> memref<100x144xf32, #tpu.memory_space<vmem>>
        %dma_start3A_57 = arith.constant 0 : i32
        %dma_start3A_58 = tpu.memref_slice %arg5[%arg0, %mul3A_39, %dma_start3A_57] : memref<2x10000x144xf32, #tpu.memory_space<hbm>> -> memref<1x100x144xf32, #tpu.memory_space<hbm>>
        %dma_start3A_59 = tpu.memref_squeeze %dma_start3A_58 : memref<1x100x144xf32, #tpu.memory_space<hbm>> -> memref<100x144xf32, #tpu.memory_space<hbm>>
        %dma_start3A_60 = arith.constant 0 : i32
        %dma_start3A_61 = tpu.memref_slice %arg5[%arg0, %mul3A_39, %dma_start3A_60] : memref<2x10000x144xf32, #tpu.memory_space<hbm>> -> memref<1x100x144xf32, #tpu.memory_space<hbm>>
        %dma_start3A_62 = tpu.memref_squeeze %dma_start3A_61 : memref<1x100x144xf32, #tpu.memory_space<hbm>> -> memref<100x144xf32, #tpu.memory_space<hbm>>
        %dma_start3A_63 = arith.constant 0 : i32
        %dma_start3A_64 = arith.constant 0 : i32
        %dma_start3A_65 = tpu.memref_slice %run_scoped3A_4[%dma_start3A_63, %dma_start3A_64] : memref<100x144xf32, #tpu.memory_space<vmem>> -> memref<100x144xf32, #tpu.memory_space<vmem>>
        tpu.enqueue_dma source(%dma_start3A_65 : memref<100x144xf32, #tpu.memory_space<vmem>>) target(%dma_start3A_62 : memref<100x144xf32, #tpu.memory_space<hbm>>) target_semaphore(%run_scoped3A_54 : memref<!tpu.dma_semaphore, #tpu.memory_space<semaphore_mem>>)
        %dma_wait3A = arith.constant 0 : i32
        %dma_wait3A_66 = arith.constant 0 : i32
        %dma_wait3A_67 = tpu.memref_slice %run_scoped3A_4[%dma_wait3A, %dma_wait3A_66] : memref<100x144xf32, #tpu.memory_space<vmem>> -> memref<100x144xf32, #tpu.memory_space<vmem>>
        %dma_wait3A_68 = arith.constant 0 : i32
        %dma_wait3A_69 = tpu.memref_slice %arg5[%arg0, %mul3A_39, %dma_wait3A_68] : memref<2x10000x144xf32, #tpu.memory_space<hbm>> -> memref<1x100x144xf32, #tpu.memory_space<hbm>>
        %dma_wait3A_70 = tpu.memref_squeeze %dma_wait3A_69 : memref<1x100x144xf32, #tpu.memory_space<hbm>> -> memref<100x144xf32, #tpu.memory_space<hbm>>
        %dma_wait3A_71 = arith.constant 0 : i32
        %dma_wait3A_72 = tpu.memref_slice %arg5[%arg0, %mul3A_39, %dma_wait3A_71] : memref<2x10000x144xf32, #tpu.memory_space<hbm>> -> memref<1x100x144xf32, #tpu.memory_space<hbm>>
        %dma_wait3A_73 = tpu.memref_squeeze %dma_wait3A_72 : memref<1x100x144xf32, #tpu.memory_space<hbm>> -> memref<100x144xf32, #tpu.memory_space<hbm>>
        %dma_wait3A_74 = arith.constant 0 : i32
        %dma_wait3A_75 = arith.constant 0 : i32
        %dma_wait3A_76 = tpu.memref_slice %run_scoped3A_4[%dma_wait3A_74, %dma_wait3A_75] : memref<100x144xf32, #tpu.memory_space<vmem>> -> memref<100x144xf32, #tpu.memory_space<vmem>>
        tpu.wait_dma2 semaphore(%run_scoped3A_54 : memref<!tpu.dma_semaphore, #tpu.memory_space<semaphore_mem>>) src(%dma_wait3A_76 : memref<100x144xf32, #tpu.memory_space<vmem>>) dst(%dma_wait3A_73 : memref<100x144xf32, #tpu.memory_space<hbm>>)
        tpu.yield
      }) : () -> ()
      %add3A_40 = arith.constant 100 : i32
      %add3A_41 = arith.addi %mul3A_39, %add3A_40 : i32
      "tpu.region"() ({
        %run_scoped3A_54 = tpu.sem_alloc : memref<!tpu.dma_semaphore, #tpu.memory_space<semaphore_mem>>
        %dma_start3A = arith.constant 0 : i32
        %dma_start3A_55 = arith.constant 0 : i32
        %dma_start3A_56 = tpu.memref_slice %run_scoped3A_4[%dma_start3A, %dma_start3A_55] : memref<100x144xf32, #tpu.memory_space<vmem>> -> memref<100x144xf32, #tpu.memory_space<vmem>>
        %dma_start3A_57 = arith.constant 0 : i32
        %dma_start3A_58 = tpu.memref_slice %arg6[%add3A_41, %dma_start3A_57] : memref<10000x144xf32, #tpu.memory_space<vmem_shared>> -> memref<100x144xf32, #tpu.memory_space<vmem_shared>>
        %dma_start3A_59 = arith.constant 0 : i32
        %dma_start3A_60 = arith.constant 0 : i32
        %dma_start3A_61 = tpu.memref_slice %run_scoped3A_4[%dma_start3A_59, %dma_start3A_60] : memref<100x144xf32, #tpu.memory_space<vmem>> -> memref<100x144xf32, #tpu.memory_space<vmem>>
        %dma_start3A_62 = arith.constant 0 : i32
        %dma_start3A_63 = tpu.memref_slice %arg6[%add3A_41, %dma_start3A_62] : memref<10000x144xf32, #tpu.memory_space<vmem_shared>> -> memref<100x144xf32, #tpu.memory_space<vmem_shared>>
        tpu.enqueue_dma source(%dma_start3A_63 : memref<100x144xf32, #tpu.memory_space<vmem_shared>>) target(%dma_start3A_61 : memref<100x144xf32, #tpu.memory_space<vmem>>) target_semaphore(%run_scoped3A_54 : memref<!tpu.dma_semaphore, #tpu.memory_space<semaphore_mem>>)
        %dma_wait3A = arith.constant 0 : i32
        %dma_wait3A_64 = arith.constant 0 : i32
        %dma_wait3A_65 = tpu.memref_slice %run_scoped3A_4[%dma_wait3A, %dma_wait3A_64] : memref<100x144xf32, #tpu.memory_space<vmem>> -> memref<100x144xf32, #tpu.memory_space<vmem>>
        %dma_wait3A_66 = arith.constant 0 : i32
        %dma_wait3A_67 = tpu.memref_slice %arg6[%add3A_41, %dma_wait3A_66] : memref<10000x144xf32, #tpu.memory_space<vmem_shared>> -> memref<100x144xf32, #tpu.memory_space<vmem_shared>>
        %dma_wait3A_68 = arith.constant 0 : i32
        %dma_wait3A_69 = arith.constant 0 : i32
        %dma_wait3A_70 = tpu.memref_slice %run_scoped3A_4[%dma_wait3A_68, %dma_wait3A_69] : memref<100x144xf32, #tpu.memory_space<vmem>> -> memref<100x144xf32, #tpu.memory_space<vmem>>
        %dma_wait3A_71 = arith.constant 0 : i32
        %dma_wait3A_72 = tpu.memref_slice %arg6[%add3A_41, %dma_wait3A_71] : memref<10000x144xf32, #tpu.memory_space<vmem_shared>> -> memref<100x144xf32, #tpu.memory_space<vmem_shared>>
        tpu.wait_dma2 semaphore(%run_scoped3A_54 : memref<!tpu.dma_semaphore, #tpu.memory_space<semaphore_mem>>) src(%dma_wait3A_72 : memref<100x144xf32, #tpu.memory_space<vmem_shared>>) dst(%dma_wait3A_70 : memref<100x144xf32, #tpu.memory_space<vmem>>)
        tpu.yield
      }) : () -> ()
      "tpu.region"() ({
        %run_scoped3A_54 = tpu.sem_alloc : memref<!tpu.dma_semaphore, #tpu.memory_space<semaphore_mem>>
        %dma_start3A = arith.constant 0 : i32
        %dma_start3A_55 = arith.constant 0 : i32
        %dma_start3A_56 = tpu.memref_slice %run_scoped3A_4[%dma_start3A, %dma_start3A_55] : memref<100x144xf32, #tpu.memory_space<vmem>> -> memref<100x144xf32, #tpu.memory_space<vmem>>
        %dma_start3A_57 = arith.constant 0 : i32
        %dma_start3A_58 = tpu.memref_slice %arg5[%arg0, %add3A_41, %dma_start3A_57] : memref<2x10000x144xf32, #tpu.memory_space<hbm>> -> memref<1x100x144xf32, #tpu.memory_space<hbm>>
        %dma_start3A_59 = tpu.memref_squeeze %dma_start3A_58 : memref<1x100x144xf32, #tpu.memory_space<hbm>> -> memref<100x144xf32, #tpu.memory_space<hbm>>
        %dma_start3A_60 = arith.constant 0 : i32
        %dma_start3A_61 = tpu.memref_slice %arg5[%arg0, %add3A_41, %dma_start3A_60] : memref<2x10000x144xf32, #tpu.memory_space<hbm>> -> memref<1x100x144xf32, #tpu.memory_space<hbm>>
        %dma_start3A_62 = tpu.memref_squeeze %dma_start3A_61 : memref<1x100x144xf32, #tpu.memory_space<hbm>> -> memref<100x144xf32, #tpu.memory_space<hbm>>
        %dma_start3A_63 = arith.constant 0 : i32
        %dma_start3A_64 = arith.constant 0 : i32
        %dma_start3A_65 = tpu.memref_slice %run_scoped3A_4[%dma_start3A_63, %dma_start3A_64] : memref<100x144xf32, #tpu.memory_space<vmem>> -> memref<100x144xf32, #tpu.memory_space<vmem>>
        tpu.enqueue_dma source(%dma_start3A_65 : memref<100x144xf32, #tpu.memory_space<vmem>>) target(%dma_start3A_62 : memref<100x144xf32, #tpu.memory_space<hbm>>) target_semaphore(%run_scoped3A_54 : memref<!tpu.dma_semaphore, #tpu.memory_space<semaphore_mem>>)
        %dma_wait3A = arith.constant 0 : i32
        %dma_wait3A_66 = arith.constant 0 : i32
        %dma_wait3A_67 = tpu.memref_slice %run_scoped3A_4[%dma_wait3A, %dma_wait3A_66] : memref<100x144xf32, #tpu.memory_space<vmem>> -> memref<100x144xf32, #tpu.memory_space<vmem>>
        %dma_wait3A_68 = arith.constant 0 : i32
        %dma_wait3A_69 = tpu.memref_slice %arg5[%arg0, %add3A_41, %dma_wait3A_68] : memref<2x10000x144xf32, #tpu.memory_space<hbm>> -> memref<1x100x144xf32, #tpu.memory_space<hbm>>
        %dma_wait3A_70 = tpu.memref_squeeze %dma_wait3A_69 : memref<1x100x144xf32, #tpu.memory_space<hbm>> -> memref<100x144xf32, #tpu.memory_space<hbm>>
        %dma_wait3A_71 = arith.constant 0 : i32
        %dma_wait3A_72 = tpu.memref_slice %arg5[%arg0, %add3A_41, %dma_wait3A_71] : memref<2x10000x144xf32, #tpu.memory_space<hbm>> -> memref<1x100x144xf32, #tpu.memory_space<hbm>>
        %dma_wait3A_73 = tpu.memref_squeeze %dma_wait3A_72 : memref<1x100x144xf32, #tpu.memory_space<hbm>> -> memref<100x144xf32, #tpu.memory_space<hbm>>
        %dma_wait3A_74 = arith.constant 0 : i32
        %dma_wait3A_75 = arith.constant 0 : i32
        %dma_wait3A_76 = tpu.memref_slice %run_scoped3A_4[%dma_wait3A_74, %dma_wait3A_75] : memref<100x144xf32, #tpu.memory_space<vmem>> -> memref<100x144xf32, #tpu.memory_space<vmem>>
        tpu.wait_dma2 semaphore(%run_scoped3A_54 : memref<!tpu.dma_semaphore, #tpu.memory_space<semaphore_mem>>) src(%dma_wait3A_76 : memref<100x144xf32, #tpu.memory_space<vmem>>) dst(%dma_wait3A_73 : memref<100x144xf32, #tpu.memory_space<hbm>>)
        tpu.yield
      }) : () -> ()
      %add3A_42 = arith.constant 100 : i32
      %add3A_43 = arith.addi %add3A_41, %add3A_42 : i32
      "tpu.region"() ({
        %run_scoped3A_54 = tpu.sem_alloc : memref<!tpu.dma_semaphore, #tpu.memory_space<semaphore_mem>>
        %dma_start3A = arith.constant 0 : i32
        %dma_start3A_55 = arith.constant 0 : i32
        %dma_start3A_56 = tpu.memref_slice %run_scoped3A_4[%dma_start3A, %dma_start3A_55] : memref<100x144xf32, #tpu.memory_space<vmem>> -> memref<100x144xf32, #tpu.memory_space<vmem>>
        %dma_start3A_57 = arith.constant 0 : i32
        %dma_start3A_58 = tpu.memref_slice %arg6[%add3A_43, %dma_start3A_57] : memref<10000x144xf32, #tpu.memory_space<vmem_shared>> -> memref<100x144xf32, #tpu.memory_space<vmem_shared>>
        %dma_start3A_59 = arith.constant 0 : i32
        %dma_start3A_60 = arith.constant 0 : i32
        %dma_start3A_61 = tpu.memref_slice %run_scoped3A_4[%dma_start3A_59, %dma_start3A_60] : memref<100x144xf32, #tpu.memory_space<vmem>> -> memref<100x144xf32, #tpu.memory_space<vmem>>
        %dma_start3A_62 = arith.constant 0 : i32
        %dma_start3A_63 = tpu.memref_slice %arg6[%add3A_43, %dma_start3A_62] : memref<10000x144xf32, #tpu.memory_space<vmem_shared>> -> memref<100x144xf32, #tpu.memory_space<vmem_shared>>
        tpu.enqueue_dma source(%dma_start3A_63 : memref<100x144xf32, #tpu.memory_space<vmem_shared>>) target(%dma_start3A_61 : memref<100x144xf32, #tpu.memory_space<vmem>>) target_semaphore(%run_scoped3A_54 : memref<!tpu.dma_semaphore, #tpu.memory_space<semaphore_mem>>)
        %dma_wait3A = arith.constant 0 : i32
        %dma_wait3A_64 = arith.constant 0 : i32
        %dma_wait3A_65 = tpu.memref_slice %run_scoped3A_4[%dma_wait3A, %dma_wait3A_64] : memref<100x144xf32, #tpu.memory_space<vmem>> -> memref<100x144xf32, #tpu.memory_space<vmem>>
        %dma_wait3A_66 = arith.constant 0 : i32
        %dma_wait3A_67 = tpu.memref_slice %arg6[%add3A_43, %dma_wait3A_66] : memref<10000x144xf32, #tpu.memory_space<vmem_shared>> -> memref<100x144xf32, #tpu.memory_space<vmem_shared>>
        %dma_wait3A_68 = arith.constant 0 : i32
        %dma_wait3A_69 = arith.constant 0 : i32
        %dma_wait3A_70 = tpu.memref_slice %run_scoped3A_4[%dma_wait3A_68, %dma_wait3A_69] : memref<100x144xf32, #tpu.memory_space<vmem>> -> memref<100x144xf32, #tpu.memory_space<vmem>>
        %dma_wait3A_71 = arith.constant 0 : i32
        %dma_wait3A_72 = tpu.memref_slice %arg6[%add3A_43, %dma_wait3A_71] : memref<10000x144xf32, #tpu.memory_space<vmem_shared>> -> memref<100x144xf32, #tpu.memory_space<vmem_shared>>
        tpu.wait_dma2 semaphore(%run_scoped3A_54 : memref<!tpu.dma_semaphore, #tpu.memory_space<semaphore_mem>>) src(%dma_wait3A_72 : memref<100x144xf32, #tpu.memory_space<vmem_shared>>) dst(%dma_wait3A_70 : memref<100x144xf32, #tpu.memory_space<vmem>>)
        tpu.yield
      }) : () -> ()
      "tpu.region"() ({
        %run_scoped3A_54 = tpu.sem_alloc : memref<!tpu.dma_semaphore, #tpu.memory_space<semaphore_mem>>
        %dma_start3A = arith.constant 0 : i32
        %dma_start3A_55 = arith.constant 0 : i32
        %dma_start3A_56 = tpu.memref_slice %run_scoped3A_4[%dma_start3A, %dma_start3A_55] : memref<100x144xf32, #tpu.memory_space<vmem>> -> memref<100x144xf32, #tpu.memory_space<vmem>>
        %dma_start3A_57 = arith.constant 0 : i32
        %dma_start3A_58 = tpu.memref_slice %arg5[%arg0, %add3A_43, %dma_start3A_57] : memref<2x10000x144xf32, #tpu.memory_space<hbm>> -> memref<1x100x144xf32, #tpu.memory_space<hbm>>
        %dma_start3A_59 = tpu.memref_squeeze %dma_start3A_58 : memref<1x100x144xf32, #tpu.memory_space<hbm>> -> memref<100x144xf32, #tpu.memory_space<hbm>>
        %dma_start3A_60 = arith.constant 0 : i32
        %dma_start3A_61 = tpu.memref_slice %arg5[%arg0, %add3A_43, %dma_start3A_60] : memref<2x10000x144xf32, #tpu.memory_space<hbm>> -> memref<1x100x144xf32, #tpu.memory_space<hbm>>
        %dma_start3A_62 = tpu.memref_squeeze %dma_start3A_61 : memref<1x100x144xf32, #tpu.memory_space<hbm>> -> memref<100x144xf32, #tpu.memory_space<hbm>>
        %dma_start3A_63 = arith.constant 0 : i32
        %dma_start3A_64 = arith.constant 0 : i32
        %dma_start3A_65 = tpu.memref_slice %run_scoped3A_4[%dma_start3A_63, %dma_start3A_64] : memref<100x144xf32, #tpu.memory_space<vmem>> -> memref<100x144xf32, #tpu.memory_space<vmem>>
        tpu.enqueue_dma source(%dma_start3A_65 : memref<100x144xf32, #tpu.memory_space<vmem>>) target(%dma_start3A_62 : memref<100x144xf32, #tpu.memory_space<hbm>>) target_semaphore(%run_scoped3A_54 : memref<!tpu.dma_semaphore, #tpu.memory_space<semaphore_mem>>)
        %dma_wait3A = arith.constant 0 : i32
        %dma_wait3A_66 = arith.constant 0 : i32
        %dma_wait3A_67 = tpu.memref_slice %run_scoped3A_4[%dma_wait3A, %dma_wait3A_66] : memref<100x144xf32, #tpu.memory_space<vmem>> -> memref<100x144xf32, #tpu.memory_space<vmem>>
        %dma_wait3A_68 = arith.constant 0 : i32
        %dma_wait3A_69 = tpu.memref_slice %arg5[%arg0, %add3A_43, %dma_wait3A_68] : memref<2x10000x144xf32, #tpu.memory_space<hbm>> -> memref<1x100x144xf32, #tpu.memory_space<hbm>>
        %dma_wait3A_70 = tpu.memref_squeeze %dma_wait3A_69 : memref<1x100x144xf32, #tpu.memory_space<hbm>> -> memref<100x144xf32, #tpu.memory_space<hbm>>
        %dma_wait3A_71 = arith.constant 0 : i32
        %dma_wait3A_72 = tpu.memref_slice %arg5[%arg0, %add3A_43, %dma_wait3A_71] : memref<2x10000x144xf32, #tpu.memory_space<hbm>> -> memref<1x100x144xf32, #tpu.memory_space<hbm>>
        %dma_wait3A_73 = tpu.memref_squeeze %dma_wait3A_72 : memref<1x100x144xf32, #tpu.memory_space<hbm>> -> memref<100x144xf32, #tpu.memory_space<hbm>>
        %dma_wait3A_74 = arith.constant 0 : i32
        %dma_wait3A_75 = arith.constant 0 : i32
        %dma_wait3A_76 = tpu.memref_slice %run_scoped3A_4[%dma_wait3A_74, %dma_wait3A_75] : memref<100x144xf32, #tpu.memory_space<vmem>> -> memref<100x144xf32, #tpu.memory_space<vmem>>
        tpu.wait_dma2 semaphore(%run_scoped3A_54 : memref<!tpu.dma_semaphore, #tpu.memory_space<semaphore_mem>>) src(%dma_wait3A_76 : memref<100x144xf32, #tpu.memory_space<vmem>>) dst(%dma_wait3A_73 : memref<100x144xf32, #tpu.memory_space<hbm>>)
        tpu.yield
      }) : () -> ()
      %add3A_44 = arith.constant 100 : i32
      %add3A_45 = arith.addi %add3A_43, %add3A_44 : i32
      "tpu.region"() ({
        %run_scoped3A_54 = tpu.sem_alloc : memref<!tpu.dma_semaphore, #tpu.memory_space<semaphore_mem>>
        %dma_start3A = arith.constant 0 : i32
        %dma_start3A_55 = arith.constant 0 : i32
        %dma_start3A_56 = tpu.memref_slice %run_scoped3A_4[%dma_start3A, %dma_start3A_55] : memref<100x144xf32, #tpu.memory_space<vmem>> -> memref<100x144xf32, #tpu.memory_space<vmem>>
        %dma_start3A_57 = arith.constant 0 : i32
        %dma_start3A_58 = tpu.memref_slice %arg6[%add3A_45, %dma_start3A_57] : memref<10000x144xf32, #tpu.memory_space<vmem_shared>> -> memref<100x144xf32, #tpu.memory_space<vmem_shared>>
        %dma_start3A_59 = arith.constant 0 : i32
        %dma_start3A_60 = arith.constant 0 : i32
        %dma_start3A_61 = tpu.memref_slice %run_scoped3A_4[%dma_start3A_59, %dma_start3A_60] : memref<100x144xf32, #tpu.memory_space<vmem>> -> memref<100x144xf32, #tpu.memory_space<vmem>>
        %dma_start3A_62 = arith.constant 0 : i32
        %dma_start3A_63 = tpu.memref_slice %arg6[%add3A_45, %dma_start3A_62] : memref<10000x144xf32, #tpu.memory_space<vmem_shared>> -> memref<100x144xf32, #tpu.memory_space<vmem_shared>>
        tpu.enqueue_dma source(%dma_start3A_63 : memref<100x144xf32, #tpu.memory_space<vmem_shared>>) target(%dma_start3A_61 : memref<100x144xf32, #tpu.memory_space<vmem>>) target_semaphore(%run_scoped3A_54 : memref<!tpu.dma_semaphore, #tpu.memory_space<semaphore_mem>>)
        %dma_wait3A = arith.constant 0 : i32
        %dma_wait3A_64 = arith.constant 0 : i32
        %dma_wait3A_65 = tpu.memref_slice %run_scoped3A_4[%dma_wait3A, %dma_wait3A_64] : memref<100x144xf32, #tpu.memory_space<vmem>> -> memref<100x144xf32, #tpu.memory_space<vmem>>
        %dma_wait3A_66 = arith.constant 0 : i32
        %dma_wait3A_67 = tpu.memref_slice %arg6[%add3A_45, %dma_wait3A_66] : memref<10000x144xf32, #tpu.memory_space<vmem_shared>> -> memref<100x144xf32, #tpu.memory_space<vmem_shared>>
        %dma_wait3A_68 = arith.constant 0 : i32
        %dma_wait3A_69 = arith.constant 0 : i32
        %dma_wait3A_70 = tpu.memref_slice %run_scoped3A_4[%dma_wait3A_68, %dma_wait3A_69] : memref<100x144xf32, #tpu.memory_space<vmem>> -> memref<100x144xf32, #tpu.memory_space<vmem>>
        %dma_wait3A_71 = arith.constant 0 : i32
        %dma_wait3A_72 = tpu.memref_slice %arg6[%add3A_45, %dma_wait3A_71] : memref<10000x144xf32, #tpu.memory_space<vmem_shared>> -> memref<100x144xf32, #tpu.memory_space<vmem_shared>>
        tpu.wait_dma2 semaphore(%run_scoped3A_54 : memref<!tpu.dma_semaphore, #tpu.memory_space<semaphore_mem>>) src(%dma_wait3A_72 : memref<100x144xf32, #tpu.memory_space<vmem_shared>>) dst(%dma_wait3A_70 : memref<100x144xf32, #tpu.memory_space<vmem>>)
        tpu.yield
      }) : () -> ()
      "tpu.region"() ({
        %run_scoped3A_54 = tpu.sem_alloc : memref<!tpu.dma_semaphore, #tpu.memory_space<semaphore_mem>>
        %dma_start3A = arith.constant 0 : i32
        %dma_start3A_55 = arith.constant 0 : i32
        %dma_start3A_56 = tpu.memref_slice %run_scoped3A_4[%dma_start3A, %dma_start3A_55] : memref<100x144xf32, #tpu.memory_space<vmem>> -> memref<100x144xf32, #tpu.memory_space<vmem>>
        %dma_start3A_57 = arith.constant 0 : i32
        %dma_start3A_58 = tpu.memref_slice %arg5[%arg0, %add3A_45, %dma_start3A_57] : memref<2x10000x144xf32, #tpu.memory_space<hbm>> -> memref<1x100x144xf32, #tpu.memory_space<hbm>>
        %dma_start3A_59 = tpu.memref_squeeze %dma_start3A_58 : memref<1x100x144xf32, #tpu.memory_space<hbm>> -> memref<100x144xf32, #tpu.memory_space<hbm>>
        %dma_start3A_60 = arith.constant 0 : i32
        %dma_start3A_61 = tpu.memref_slice %arg5[%arg0, %add3A_45, %dma_start3A_60] : memref<2x10000x144xf32, #tpu.memory_space<hbm>> -> memref<1x100x144xf32, #tpu.memory_space<hbm>>
        %dma_start3A_62 = tpu.memref_squeeze %dma_start3A_61 : memref<1x100x144xf32, #tpu.memory_space<hbm>> -> memref<100x144xf32, #tpu.memory_space<hbm>>
        %dma_start3A_63 = arith.constant 0 : i32
        %dma_start3A_64 = arith.constant 0 : i32
        %dma_start3A_65 = tpu.memref_slice %run_scoped3A_4[%dma_start3A_63, %dma_start3A_64] : memref<100x144xf32, #tpu.memory_space<vmem>> -> memref<100x144xf32, #tpu.memory_space<vmem>>
        tpu.enqueue_dma source(%dma_start3A_65 : memref<100x144xf32, #tpu.memory_space<vmem>>) target(%dma_start3A_62 : memref<100x144xf32, #tpu.memory_space<hbm>>) target_semaphore(%run_scoped3A_54 : memref<!tpu.dma_semaphore, #tpu.memory_space<semaphore_mem>>)
        %dma_wait3A = arith.constant 0 : i32
        %dma_wait3A_66 = arith.constant 0 : i32
        %dma_wait3A_67 = tpu.memref_slice %run_scoped3A_4[%dma_wait3A, %dma_wait3A_66] : memref<100x144xf32, #tpu.memory_space<vmem>> -> memref<100x144xf32, #tpu.memory_space<vmem>>
        %dma_wait3A_68 = arith.constant 0 : i32
        %dma_wait3A_69 = tpu.memref_slice %arg5[%arg0, %add3A_45, %dma_wait3A_68] : memref<2x10000x144xf32, #tpu.memory_space<hbm>> -> memref<1x100x144xf32, #tpu.memory_space<hbm>>
        %dma_wait3A_70 = tpu.memref_squeeze %dma_wait3A_69 : memref<1x100x144xf32, #tpu.memory_space<hbm>> -> memref<100x144xf32, #tpu.memory_space<hbm>>
        %dma_wait3A_71 = arith.constant 0 : i32
        %dma_wait3A_72 = tpu.memref_slice %arg5[%arg0, %add3A_45, %dma_wait3A_71] : memref<2x10000x144xf32, #tpu.memory_space<hbm>> -> memref<1x100x144xf32, #tpu.memory_space<hbm>>
        %dma_wait3A_73 = tpu.memref_squeeze %dma_wait3A_72 : memref<1x100x144xf32, #tpu.memory_space<hbm>> -> memref<100x144xf32, #tpu.memory_space<hbm>>
        %dma_wait3A_74 = arith.constant 0 : i32
        %dma_wait3A_75 = arith.constant 0 : i32
        %dma_wait3A_76 = tpu.memref_slice %run_scoped3A_4[%dma_wait3A_74, %dma_wait3A_75] : memref<100x144xf32, #tpu.memory_space<vmem>> -> memref<100x144xf32, #tpu.memory_space<vmem>>
        tpu.wait_dma2 semaphore(%run_scoped3A_54 : memref<!tpu.dma_semaphore, #tpu.memory_space<semaphore_mem>>) src(%dma_wait3A_76 : memref<100x144xf32, #tpu.memory_space<vmem>>) dst(%dma_wait3A_73 : memref<100x144xf32, #tpu.memory_space<hbm>>)
        tpu.yield
      }) : () -> ()
      %add3A_46 = arith.constant 100 : i32
      %add3A_47 = arith.addi %add3A_45, %add3A_46 : i32
      "tpu.region"() ({
        %run_scoped3A_54 = tpu.sem_alloc : memref<!tpu.dma_semaphore, #tpu.memory_space<semaphore_mem>>
        %dma_start3A = arith.constant 0 : i32
        %dma_start3A_55 = arith.constant 0 : i32
        %dma_start3A_56 = tpu.memref_slice %run_scoped3A_4[%dma_start3A, %dma_start3A_55] : memref<100x144xf32, #tpu.memory_space<vmem>> -> memref<100x144xf32, #tpu.memory_space<vmem>>
        %dma_start3A_57 = arith.constant 0 : i32
        %dma_start3A_58 = tpu.memref_slice %arg6[%add3A_47, %dma_start3A_57] : memref<10000x144xf32, #tpu.memory_space<vmem_shared>> -> memref<100x144xf32, #tpu.memory_space<vmem_shared>>
        %dma_start3A_59 = arith.constant 0 : i32
        %dma_start3A_60 = arith.constant 0 : i32
        %dma_start3A_61 = tpu.memref_slice %run_scoped3A_4[%dma_start3A_59, %dma_start3A_60] : memref<100x144xf32, #tpu.memory_space<vmem>> -> memref<100x144xf32, #tpu.memory_space<vmem>>
        %dma_start3A_62 = arith.constant 0 : i32
        %dma_start3A_63 = tpu.memref_slice %arg6[%add3A_47, %dma_start3A_62] : memref<10000x144xf32, #tpu.memory_space<vmem_shared>> -> memref<100x144xf32, #tpu.memory_space<vmem_shared>>
        tpu.enqueue_dma source(%dma_start3A_63 : memref<100x144xf32, #tpu.memory_space<vmem_shared>>) target(%dma_start3A_61 : memref<100x144xf32, #tpu.memory_space<vmem>>) target_semaphore(%run_scoped3A_54 : memref<!tpu.dma_semaphore, #tpu.memory_space<semaphore_mem>>)
        %dma_wait3A = arith.constant 0 : i32
        %dma_wait3A_64 = arith.constant 0 : i32
        %dma_wait3A_65 = tpu.memref_slice %run_scoped3A_4[%dma_wait3A, %dma_wait3A_64] : memref<100x144xf32, #tpu.memory_space<vmem>> -> memref<100x144xf32, #tpu.memory_space<vmem>>
        %dma_wait3A_66 = arith.constant 0 : i32
        %dma_wait3A_67 = tpu.memref_slice %arg6[%add3A_47, %dma_wait3A_66] : memref<10000x144xf32, #tpu.memory_space<vmem_shared>> -> memref<100x144xf32, #tpu.memory_space<vmem_shared>>
        %dma_wait3A_68 = arith.constant 0 : i32
        %dma_wait3A_69 = arith.constant 0 : i32
        %dma_wait3A_70 = tpu.memref_slice %run_scoped3A_4[%dma_wait3A_68, %dma_wait3A_69] : memref<100x144xf32, #tpu.memory_space<vmem>> -> memref<100x144xf32, #tpu.memory_space<vmem>>
        %dma_wait3A_71 = arith.constant 0 : i32
        %dma_wait3A_72 = tpu.memref_slice %arg6[%add3A_47, %dma_wait3A_71] : memref<10000x144xf32, #tpu.memory_space<vmem_shared>> -> memref<100x144xf32, #tpu.memory_space<vmem_shared>>
        tpu.wait_dma2 semaphore(%run_scoped3A_54 : memref<!tpu.dma_semaphore, #tpu.memory_space<semaphore_mem>>) src(%dma_wait3A_72 : memref<100x144xf32, #tpu.memory_space<vmem_shared>>) dst(%dma_wait3A_70 : memref<100x144xf32, #tpu.memory_space<vmem>>)
        tpu.yield
      }) : () -> ()
      "tpu.region"() ({
        %run_scoped3A_54 = tpu.sem_alloc : memref<!tpu.dma_semaphore, #tpu.memory_space<semaphore_mem>>
        %dma_start3A = arith.constant 0 : i32
        %dma_start3A_55 = arith.constant 0 : i32
        %dma_start3A_56 = tpu.memref_slice %run_scoped3A_4[%dma_start3A, %dma_start3A_55] : memref<100x144xf32, #tpu.memory_space<vmem>> -> memref<100x144xf32, #tpu.memory_space<vmem>>
        %dma_start3A_57 = arith.constant 0 : i32
        %dma_start3A_58 = tpu.memref_slice %arg5[%arg0, %add3A_47, %dma_start3A_57] : memref<2x10000x144xf32, #tpu.memory_space<hbm>> -> memref<1x100x144xf32, #tpu.memory_space<hbm>>
        %dma_start3A_59 = tpu.memref_squeeze %dma_start3A_58 : memref<1x100x144xf32, #tpu.memory_space<hbm>> -> memref<100x144xf32, #tpu.memory_space<hbm>>
        %dma_start3A_60 = arith.constant 0 : i32
        %dma_start3A_61 = tpu.memref_slice %arg5[%arg0, %add3A_47, %dma_start3A_60] : memref<2x10000x144xf32, #tpu.memory_space<hbm>> -> memref<1x100x144xf32, #tpu.memory_space<hbm>>
        %dma_start3A_62 = tpu.memref_squeeze %dma_start3A_61 : memref<1x100x144xf32, #tpu.memory_space<hbm>> -> memref<100x144xf32, #tpu.memory_space<hbm>>
        %dma_start3A_63 = arith.constant 0 : i32
        %dma_start3A_64 = arith.constant 0 : i32
        %dma_start3A_65 = tpu.memref_slice %run_scoped3A_4[%dma_start3A_63, %dma_start3A_64] : memref<100x144xf32, #tpu.memory_space<vmem>> -> memref<100x144xf32, #tpu.memory_space<vmem>>
        tpu.enqueue_dma source(%dma_start3A_65 : memref<100x144xf32, #tpu.memory_space<vmem>>) target(%dma_start3A_62 : memref<100x144xf32, #tpu.memory_space<hbm>>) target_semaphore(%run_scoped3A_54 : memref<!tpu.dma_semaphore, #tpu.memory_space<semaphore_mem>>)
        %dma_wait3A = arith.constant 0 : i32
        %dma_wait3A_66 = arith.constant 0 : i32
        %dma_wait3A_67 = tpu.memref_slice %run_scoped3A_4[%dma_wait3A, %dma_wait3A_66] : memref<100x144xf32, #tpu.memory_space<vmem>> -> memref<100x144xf32, #tpu.memory_space<vmem>>
        %dma_wait3A_68 = arith.constant 0 : i32
        %dma_wait3A_69 = tpu.memref_slice %arg5[%arg0, %add3A_47, %dma_wait3A_68] : memref<2x10000x144xf32, #tpu.memory_space<hbm>> -> memref<1x100x144xf32, #tpu.memory_space<hbm>>
        %dma_wait3A_70 = tpu.memref_squeeze %dma_wait3A_69 : memref<1x100x144xf32, #tpu.memory_space<hbm>> -> memref<100x144xf32, #tpu.memory_space<hbm>>
        %dma_wait3A_71 = arith.constant 0 : i32
        %dma_wait3A_72 = tpu.memref_slice %arg5[%arg0, %add3A_47, %dma_wait3A_71] : memref<2x10000x144xf32, #tpu.memory_space<hbm>> -> memref<1x100x144xf32, #tpu.memory_space<hbm>>
        %dma_wait3A_73 = tpu.memref_squeeze %dma_wait3A_72 : memref<1x100x144xf32, #tpu.memory_space<hbm>> -> memref<100x144xf32, #tpu.memory_space<hbm>>
        %dma_wait3A_74 = arith.constant 0 : i32
        %dma_wait3A_75 = arith.constant 0 : i32
        %dma_wait3A_76 = tpu.memref_slice %run_scoped3A_4[%dma_wait3A_74, %dma_wait3A_75] : memref<100x144xf32, #tpu.memory_space<vmem>> -> memref<100x144xf32, #tpu.memory_space<vmem>>
        tpu.wait_dma2 semaphore(%run_scoped3A_54 : memref<!tpu.dma_semaphore, #tpu.memory_space<semaphore_mem>>) src(%dma_wait3A_76 : memref<100x144xf32, #tpu.memory_space<vmem>>) dst(%dma_wait3A_73 : memref<100x144xf32, #tpu.memory_space<hbm>>)
        tpu.yield
      }) : () -> ()
      %add3A_48 = arith.constant 100 : i32
      %add3A_49 = arith.addi %add3A_47, %add3A_48 : i32
      "tpu.region"() ({
        %run_scoped3A_54 = tpu.sem_alloc : memref<!tpu.dma_semaphore, #tpu.memory_space<semaphore_mem>>
        %dma_start3A = arith.constant 0 : i32
        %dma_start3A_55 = arith.constant 0 : i32
        %dma_start3A_56 = tpu.memref_slice %run_scoped3A_4[%dma_start3A, %dma_start3A_55] : memref<100x144xf32, #tpu.memory_space<vmem>> -> memref<100x144xf32, #tpu.memory_space<vmem>>
        %dma_start3A_57 = arith.constant 0 : i32
        %dma_start3A_58 = tpu.memref_slice %arg6[%add3A_49, %dma_start3A_57] : memref<10000x144xf32, #tpu.memory_space<vmem_shared>> -> memref<100x144xf32, #tpu.memory_space<vmem_shared>>
        %dma_start3A_59 = arith.constant 0 : i32
        %dma_start3A_60 = arith.constant 0 : i32
        %dma_start3A_61 = tpu.memref_slice %run_scoped3A_4[%dma_start3A_59, %dma_start3A_60] : memref<100x144xf32, #tpu.memory_space<vmem>> -> memref<100x144xf32, #tpu.memory_space<vmem>>
        %dma_start3A_62 = arith.constant 0 : i32
        %dma_start3A_63 = tpu.memref_slice %arg6[%add3A_49, %dma_start3A_62] : memref<10000x144xf32, #tpu.memory_space<vmem_shared>> -> memref<100x144xf32, #tpu.memory_space<vmem_shared>>
        tpu.enqueue_dma source(%dma_start3A_63 : memref<100x144xf32, #tpu.memory_space<vmem_shared>>) target(%dma_start3A_61 : memref<100x144xf32, #tpu.memory_space<vmem>>) target_semaphore(%run_scoped3A_54 : memref<!tpu.dma_semaphore, #tpu.memory_space<semaphore_mem>>)
        %dma_wait3A = arith.constant 0 : i32
        %dma_wait3A_64 = arith.constant 0 : i32
        %dma_wait3A_65 = tpu.memref_slice %run_scoped3A_4[%dma_wait3A, %dma_wait3A_64] : memref<100x144xf32, #tpu.memory_space<vmem>> -> memref<100x144xf32, #tpu.memory_space<vmem>>
        %dma_wait3A_66 = arith.constant 0 : i32
        %dma_wait3A_67 = tpu.memref_slice %arg6[%add3A_49, %dma_wait3A_66] : memref<10000x144xf32, #tpu.memory_space<vmem_shared>> -> memref<100x144xf32, #tpu.memory_space<vmem_shared>>
        %dma_wait3A_68 = arith.constant 0 : i32
        %dma_wait3A_69 = arith.constant 0 : i32
        %dma_wait3A_70 = tpu.memref_slice %run_scoped3A_4[%dma_wait3A_68, %dma_wait3A_69] : memref<100x144xf32, #tpu.memory_space<vmem>> -> memref<100x144xf32, #tpu.memory_space<vmem>>
        %dma_wait3A_71 = arith.constant 0 : i32
        %dma_wait3A_72 = tpu.memref_slice %arg6[%add3A_49, %dma_wait3A_71] : memref<10000x144xf32, #tpu.memory_space<vmem_shared>> -> memref<100x144xf32, #tpu.memory_space<vmem_shared>>
        tpu.wait_dma2 semaphore(%run_scoped3A_54 : memref<!tpu.dma_semaphore, #tpu.memory_space<semaphore_mem>>) src(%dma_wait3A_72 : memref<100x144xf32, #tpu.memory_space<vmem_shared>>) dst(%dma_wait3A_70 : memref<100x144xf32, #tpu.memory_space<vmem>>)
        tpu.yield
      }) : () -> ()
      "tpu.region"() ({
        %run_scoped3A_54 = tpu.sem_alloc : memref<!tpu.dma_semaphore, #tpu.memory_space<semaphore_mem>>
        %dma_start3A = arith.constant 0 : i32
        %dma_start3A_55 = arith.constant 0 : i32
        %dma_start3A_56 = tpu.memref_slice %run_scoped3A_4[%dma_start3A, %dma_start3A_55] : memref<100x144xf32, #tpu.memory_space<vmem>> -> memref<100x144xf32, #tpu.memory_space<vmem>>
        %dma_start3A_57 = arith.constant 0 : i32
        %dma_start3A_58 = tpu.memref_slice %arg5[%arg0, %add3A_49, %dma_start3A_57] : memref<2x10000x144xf32, #tpu.memory_space<hbm>> -> memref<1x100x144xf32, #tpu.memory_space<hbm>>
        %dma_start3A_59 = tpu.memref_squeeze %dma_start3A_58 : memref<1x100x144xf32, #tpu.memory_space<hbm>> -> memref<100x144xf32, #tpu.memory_space<hbm>>
        %dma_start3A_60 = arith.constant 0 : i32
        %dma_start3A_61 = tpu.memref_slice %arg5[%arg0, %add3A_49, %dma_start3A_60] : memref<2x10000x144xf32, #tpu.memory_space<hbm>> -> memref<1x100x144xf32, #tpu.memory_space<hbm>>
        %dma_start3A_62 = tpu.memref_squeeze %dma_start3A_61 : memref<1x100x144xf32, #tpu.memory_space<hbm>> -> memref<100x144xf32, #tpu.memory_space<hbm>>
        %dma_start3A_63 = arith.constant 0 : i32
        %dma_start3A_64 = arith.constant 0 : i32
        %dma_start3A_65 = tpu.memref_slice %run_scoped3A_4[%dma_start3A_63, %dma_start3A_64] : memref<100x144xf32, #tpu.memory_space<vmem>> -> memref<100x144xf32, #tpu.memory_space<vmem>>
        tpu.enqueue_dma source(%dma_start3A_65 : memref<100x144xf32, #tpu.memory_space<vmem>>) target(%dma_start3A_62 : memref<100x144xf32, #tpu.memory_space<hbm>>) target_semaphore(%run_scoped3A_54 : memref<!tpu.dma_semaphore, #tpu.memory_space<semaphore_mem>>)
        %dma_wait3A = arith.constant 0 : i32
        %dma_wait3A_66 = arith.constant 0 : i32
        %dma_wait3A_67 = tpu.memref_slice %run_scoped3A_4[%dma_wait3A, %dma_wait3A_66] : memref<100x144xf32, #tpu.memory_space<vmem>> -> memref<100x144xf32, #tpu.memory_space<vmem>>
        %dma_wait3A_68 = arith.constant 0 : i32
        %dma_wait3A_69 = tpu.memref_slice %arg5[%arg0, %add3A_49, %dma_wait3A_68] : memref<2x10000x144xf32, #tpu.memory_space<hbm>> -> memref<1x100x144xf32, #tpu.memory_space<hbm>>
        %dma_wait3A_70 = tpu.memref_squeeze %dma_wait3A_69 : memref<1x100x144xf32, #tpu.memory_space<hbm>> -> memref<100x144xf32, #tpu.memory_space<hbm>>
        %dma_wait3A_71 = arith.constant 0 : i32
        %dma_wait3A_72 = tpu.memref_slice %arg5[%arg0, %add3A_49, %dma_wait3A_71] : memref<2x10000x144xf32, #tpu.memory_space<hbm>> -> memref<1x100x144xf32, #tpu.memory_space<hbm>>
        %dma_wait3A_73 = tpu.memref_squeeze %dma_wait3A_72 : memref<1x100x144xf32, #tpu.memory_space<hbm>> -> memref<100x144xf32, #tpu.memory_space<hbm>>
        %dma_wait3A_74 = arith.constant 0 : i32
        %dma_wait3A_75 = arith.constant 0 : i32
        %dma_wait3A_76 = tpu.memref_slice %run_scoped3A_4[%dma_wait3A_74, %dma_wait3A_75] : memref<100x144xf32, #tpu.memory_space<vmem>> -> memref<100x144xf32, #tpu.memory_space<vmem>>
        tpu.wait_dma2 semaphore(%run_scoped3A_54 : memref<!tpu.dma_semaphore, #tpu.memory_space<semaphore_mem>>) src(%dma_wait3A_76 : memref<100x144xf32, #tpu.memory_space<vmem>>) dst(%dma_wait3A_73 : memref<100x144xf32, #tpu.memory_space<hbm>>)
        tpu.yield
      }) : () -> ()
      %add3A_50 = arith.constant 100 : i32
      %add3A_51 = arith.addi %add3A_49, %add3A_50 : i32
      "tpu.region"() ({
        %run_scoped3A_54 = tpu.sem_alloc : memref<!tpu.dma_semaphore, #tpu.memory_space<semaphore_mem>>
        %dma_start3A = arith.constant 0 : i32
        %dma_start3A_55 = arith.constant 0 : i32
        %dma_start3A_56 = tpu.memref_slice %run_scoped3A_4[%dma_start3A, %dma_start3A_55] : memref<100x144xf32, #tpu.memory_space<vmem>> -> memref<25x144xf32, #tpu.memory_space<vmem>>
        %dma_start3A_57 = arith.constant 0 : i32
        %dma_start3A_58 = tpu.memref_slice %arg6[%add3A_51, %dma_start3A_57] : memref<10000x144xf32, #tpu.memory_space<vmem_shared>> -> memref<25x144xf32, #tpu.memory_space<vmem_shared>>
        %dma_start3A_59 = arith.constant 0 : i32
        %dma_start3A_60 = arith.constant 0 : i32
        %dma_start3A_61 = tpu.memref_slice %run_scoped3A_4[%dma_start3A_59, %dma_start3A_60] : memref<100x144xf32, #tpu.memory_space<vmem>> -> memref<25x144xf32, #tpu.memory_space<vmem>>
        %dma_start3A_62 = arith.constant 0 : i32
        %dma_start3A_63 = tpu.memref_slice %arg6[%add3A_51, %dma_start3A_62] : memref<10000x144xf32, #tpu.memory_space<vmem_shared>> -> memref<25x144xf32, #tpu.memory_space<vmem_shared>>
        tpu.enqueue_dma source(%dma_start3A_63 : memref<25x144xf32, #tpu.memory_space<vmem_shared>>) target(%dma_start3A_61 : memref<25x144xf32, #tpu.memory_space<vmem>>) target_semaphore(%run_scoped3A_54 : memref<!tpu.dma_semaphore, #tpu.memory_space<semaphore_mem>>)
        %dma_wait3A = arith.constant 0 : i32
        %dma_wait3A_64 = arith.constant 0 : i32
        %dma_wait3A_65 = tpu.memref_slice %run_scoped3A_4[%dma_wait3A, %dma_wait3A_64] : memref<100x144xf32, #tpu.memory_space<vmem>> -> memref<25x144xf32, #tpu.memory_space<vmem>>
        %dma_wait3A_66 = arith.constant 0 : i32
        %dma_wait3A_67 = tpu.memref_slice %arg6[%add3A_51, %dma_wait3A_66] : memref<10000x144xf32, #tpu.memory_space<vmem_shared>> -> memref<25x144xf32, #tpu.memory_space<vmem_shared>>
        %dma_wait3A_68 = arith.constant 0 : i32
        %dma_wait3A_69 = arith.constant 0 : i32
        %dma_wait3A_70 = tpu.memref_slice %run_scoped3A_4[%dma_wait3A_68, %dma_wait3A_69] : memref<100x144xf32, #tpu.memory_space<vmem>> -> memref<25x144xf32, #tpu.memory_space<vmem>>
        %dma_wait3A_71 = arith.constant 0 : i32
        %dma_wait3A_72 = tpu.memref_slice %arg6[%add3A_51, %dma_wait3A_71] : memref<10000x144xf32, #tpu.memory_space<vmem_shared>> -> memref<25x144xf32, #tpu.memory_space<vmem_shared>>
        tpu.wait_dma2 semaphore(%run_scoped3A_54 : memref<!tpu.dma_semaphore, #tpu.memory_space<semaphore_mem>>) src(%dma_wait3A_72 : memref<25x144xf32, #tpu.memory_space<vmem_shared>>) dst(%dma_wait3A_70 : memref<25x144xf32, #tpu.memory_space<vmem>>)
        tpu.yield
      }) : () -> ()
      "tpu.region"() ({
        %run_scoped3A_54 = tpu.sem_alloc : memref<!tpu.dma_semaphore, #tpu.memory_space<semaphore_mem>>
        %dma_start3A = arith.constant 0 : i32
        %dma_start3A_55 = arith.constant 0 : i32
        %dma_start3A_56 = tpu.memref_slice %run_scoped3A_4[%dma_start3A, %dma_start3A_55] : memref<100x144xf32, #tpu.memory_space<vmem>> -> memref<25x144xf32, #tpu.memory_space<vmem>>
        %dma_start3A_57 = arith.constant 0 : i32
        %dma_start3A_58 = tpu.memref_slice %arg5[%arg0, %add3A_51, %dma_start3A_57] : memref<2x10000x144xf32, #tpu.memory_space<hbm>> -> memref<1x25x144xf32, #tpu.memory_space<hbm>>
        %dma_start3A_59 = tpu.memref_squeeze %dma_start3A_58 : memref<1x25x144xf32, #tpu.memory_space<hbm>> -> memref<25x144xf32, #tpu.memory_space<hbm>>
        %dma_start3A_60 = arith.constant 0 : i32
        %dma_start3A_61 = tpu.memref_slice %arg5[%arg0, %add3A_51, %dma_start3A_60] : memref<2x10000x144xf32, #tpu.memory_space<hbm>> -> memref<1x25x144xf32, #tpu.memory_space<hbm>>
        %dma_start3A_62 = tpu.memref_squeeze %dma_start3A_61 : memref<1x25x144xf32, #tpu.memory_space<hbm>> -> memref<25x144xf32, #tpu.memory_space<hbm>>
        %dma_start3A_63 = arith.constant 0 : i32
        %dma_start3A_64 = arith.constant 0 : i32
        %dma_start3A_65 = tpu.memref_slice %run_scoped3A_4[%dma_start3A_63, %dma_start3A_64] : memref<100x144xf32, #tpu.memory_space<vmem>> -> memref<25x144xf32, #tpu.memory_space<vmem>>
        tpu.enqueue_dma source(%dma_start3A_65 : memref<25x144xf32, #tpu.memory_space<vmem>>) target(%dma_start3A_62 : memref<25x144xf32, #tpu.memory_space<hbm>>) target_semaphore(%run_scoped3A_54 : memref<!tpu.dma_semaphore, #tpu.memory_space<semaphore_mem>>)
        %dma_wait3A = arith.constant 0 : i32
        %dma_wait3A_66 = arith.constant 0 : i32
        %dma_wait3A_67 = tpu.memref_slice %run_scoped3A_4[%dma_wait3A, %dma_wait3A_66] : memref<100x144xf32, #tpu.memory_space<vmem>> -> memref<25x144xf32, #tpu.memory_space<vmem>>
        %dma_wait3A_68 = arith.constant 0 : i32
        %dma_wait3A_69 = tpu.memref_slice %arg5[%arg0, %add3A_51, %dma_wait3A_68] : memref<2x10000x144xf32, #tpu.memory_space<hbm>> -> memref<1x25x144xf32, #tpu.memory_space<hbm>>
        %dma_wait3A_70 = tpu.memref_squeeze %dma_wait3A_69 : memref<1x25x144xf32, #tpu.memory_space<hbm>> -> memref<25x144xf32, #tpu.memory_space<hbm>>
        %dma_wait3A_71 = arith.constant 0 : i32
        %dma_wait3A_72 = tpu.memref_slice %arg5[%arg0, %add3A_51, %dma_wait3A_71] : memref<2x10000x144xf32, #tpu.memory_space<hbm>> -> memref<1x25x144xf32, #tpu.memory_space<hbm>>
        %dma_wait3A_73 = tpu.memref_squeeze %dma_wait3A_72 : memref<1x25x144xf32, #tpu.memory_space<hbm>> -> memref<25x144xf32, #tpu.memory_space<hbm>>
        %dma_wait3A_74 = arith.constant 0 : i32
        %dma_wait3A_75 = arith.constant 0 : i32
        %dma_wait3A_76 = tpu.memref_slice %run_scoped3A_4[%dma_wait3A_74, %dma_wait3A_75] : memref<100x144xf32, #tpu.memory_space<vmem>> -> memref<25x144xf32, #tpu.memory_space<vmem>>
        tpu.wait_dma2 semaphore(%run_scoped3A_54 : memref<!tpu.dma_semaphore, #tpu.memory_space<semaphore_mem>>) src(%dma_wait3A_76 : memref<25x144xf32, #tpu.memory_space<vmem>>) dst(%dma_wait3A_73 : memref<25x144xf32, #tpu.memory_space<hbm>>)
        tpu.yield
      }) : () -> ()
      %add3A_52 = arith.constant 25 : i32
      %add3A_53 = arith.addi %add3A_51, %add3A_52 : i32
      tpu.yield
    }) : () -> ()
    return
  }
}

module attributes {stable_mosaic.version = 14 : i64} {
  func.func @_proj_body(%arg0: i32, %arg1: memref<1000x128xf32, #tpu.memory_space<vmem>>, %arg2: memref<128x128xf32, #tpu.memory_space<vmem>>, %arg3: memref<1x128xf32, #tpu.memory_space<vmem>>, %arg4: memref<128x160xf32, #tpu.memory_space<vmem>>, %arg5: memref<1000x80xi32, #tpu.memory_space<vmem>>) attributes {dimension_semantics = [#tpu.dimension_semantics<arbitrary>], iteration_bounds = array<i64: 10>, scalar_prefetch = 0 : i64, scratch_operands = 0 : i64, tpu.core_type = #tpu.core_type<tc>, window_params = [{transform_indices = @transform_0, window_bounds = array<i64: 1000, 128>}, {pipeline_mode = #tpu.pipeline_mode<synchronous>, transform_indices = @transform_1, window_bounds = array<i64: 128, 128>}, {pipeline_mode = #tpu.pipeline_mode<synchronous>, transform_indices = @transform_2, window_bounds = array<i64: 1, 128>}, {pipeline_mode = #tpu.pipeline_mode<synchronous>, transform_indices = @transform_3, window_bounds = array<i64: 128, 160>}, {transform_indices = @transform_4, window_bounds = array<i64: 1000, 80>}]} {
    %get3A = arith.constant 0 : index
    %get3A_0 = arith.constant 0 : index
    %get3A_1 = vector.load %arg1[%get3A, %get3A_0] : memref<1000x128xf32, #tpu.memory_space<vmem>>, vector<1000x128xf32>
    %get3A_2 = arith.constant 0 : index
    %get3A_3 = arith.constant 0 : index
    %get3A_4 = vector.load %arg2[%get3A_2, %get3A_3] : memref<128x128xf32, #tpu.memory_space<vmem>>, vector<128x128xf32>
    %dot_general3A = arith.constant dense<0.000000e+00> : vector<1000x128xf32>
    %dot_general3A_5 = tpu.matmul %get3A_1, %get3A_4, %dot_general3A {dimension_numbers = #tpu.dot_dimension_numbers<[1], [0], [0], [1], [0, 0, 1, 1], [], []>, transpose_lhs_hint = false} : vector<1000x128xf32>, vector<128x128xf32>, vector<1000x128xf32> -> vector<1000x128xf32>
    %get3A_6 = arith.constant 0 : index
    %get3A_7 = arith.constant 0 : index
    %get3A_8 = vector.load %arg3[%get3A_6, %get3A_7] : memref<1x128xf32, #tpu.memory_space<vmem>>, vector<1x128xf32>
    %mul3A = vector.broadcast %get3A_8 : vector<1x128xf32> to vector<1000x128xf32>
    %mul3A_9 = arith.mulf %dot_general3A_5, %mul3A : vector<1000x128xf32>
    %get3A_10 = arith.constant 0 : index
    %get3A_11 = arith.constant 0 : index
    %get3A_12 = vector.load %arg4[%get3A_10, %get3A_11] : memref<128x160xf32, #tpu.memory_space<vmem>>, vector<128x160xf32>
    %dot_general3A_13 = arith.constant dense<0.000000e+00> : vector<1000x160xf32>
    %dot_general3A_14 = tpu.matmul %mul3A_9, %get3A_12, %dot_general3A_13 {dimension_numbers = #tpu.dot_dimension_numbers<[1], [0], [0], [1], [0, 0, 1, 1], [], []>, transpose_lhs_hint = false} : vector<1000x128xf32>, vector<128x160xf32>, vector<1000x160xf32> -> vector<1000x160xf32>
    %exp3A = math.exp %dot_general3A_14 : vector<1000x160xf32>
    %broadcast_in_dim3A = arith.constant 1.000000e+00 : f32
    %broadcast_in_dim3A_15 = vector.broadcast %broadcast_in_dim3A : f32 to vector<1000x32xf32>
    %concatenate3A = tpu.concatenate %dot_general3A_5, %broadcast_in_dim3A_15 in 1 : vector<1000x128xf32>, vector<1000x32xf32> -> vector<1000x160xf32>
    %mul3A_16 = arith.mulf %concatenate3A, %exp3A : vector<1000x160xf32>
    %slice3A = vector.extract_strided_slice %mul3A_16 {offsets = [0, 0], sizes = [1000, 80], strides = [1, 1]} : vector<1000x160xf32> to vector<1000x80xf32>
    %convert_element_type3A = arith.truncf %slice3A : vector<1000x80xf32> to vector<1000x80xbf16>
    %convert_element_type3A_17 = arith.extf %convert_element_type3A : vector<1000x80xbf16> to vector<1000x80xf32>
    %slice3A_18 = vector.extract_strided_slice %mul3A_16 {offsets = [0, 80], sizes = [1000, 80], strides = [1, 1]} : vector<1000x160xf32> to vector<1000x80xf32>
    %convert_element_type3A_19 = arith.truncf %slice3A_18 : vector<1000x80xf32> to vector<1000x80xbf16>
    %convert_element_type3A_20 = arith.extf %convert_element_type3A_19 : vector<1000x80xbf16> to vector<1000x80xf32>
    %bitcast_convert_type3A = tpu.bitcast %convert_element_type3A_17 : vector<1000x80xf32> -> vector<1000x80xi32>
    %bitcast_convert_type3A_21 = tpu.bitcast %convert_element_type3A_20 : vector<1000x80xf32> -> vector<1000x80xi32>
    %shift_right_logical3A = arith.constant 16 : i32
    %shift_right_logical3A_22 = vector.broadcast %shift_right_logical3A : i32 to vector<1000x80xi32>
    %shift_right_logical3A_23 = arith.shrui %bitcast_convert_type3A, %shift_right_logical3A_22 : vector<1000x80xi32>
    %and3A = arith.constant -65536 : i32
    %and3A_24 = vector.broadcast %and3A : i32 to vector<1000x80xi32>
    %and3A_25 = arith.andi %bitcast_convert_type3A_21, %and3A_24 : vector<1000x80xi32>
    %or3A = arith.ori %shift_right_logical3A_23, %and3A_25 : vector<1000x80xi32>
    %swap3A = arith.constant 0 : index
    %swap3A_26 = arith.constant 0 : index
    %swap3A_27 = vector.load %arg5[%swap3A, %swap3A_26] : memref<1000x80xi32, #tpu.memory_space<vmem>>, vector<1000x80xi32>
    tpu.vector_store %arg5[%swap3A, %swap3A_26], %or3A {strides = array<i32>} : memref<1000x80xi32, #tpu.memory_space<vmem>>, vector<1000x80xi32>,
    return
  }
  func.func @transform_0(%arg0: i32) -> (i32, i32) {
    %c0_i32 = arith.constant 0 : i32
    %c0_i32_0 = arith.constant 0 : i32
    return %arg0, %c0_i32 : i32, i32
  }
  func.func @transform_1(%arg0: i32) -> (i32, i32) {
    %c0_i32 = arith.constant 0 : i32
    %c0_i32_0 = arith.constant 0 : i32
    %c0_i32_1 = arith.constant 0 : i32
    return %c0_i32, %c0_i32_0 : i32, i32
  }
  func.func @transform_2(%arg0: i32) -> (i32, i32) {
    %c0_i32 = arith.constant 0 : i32
    %c0_i32_0 = arith.constant 0 : i32
    %c0_i32_1 = arith.constant 0 : i32
    return %c0_i32, %c0_i32_0 : i32, i32
  }
  func.func @transform_3(%arg0: i32) -> (i32, i32) {
    %c0_i32 = arith.constant 0 : i32
    %c0_i32_0 = arith.constant 0 : i32
    %c0_i32_1 = arith.constant 0 : i32
    return %c0_i32, %c0_i32_0 : i32, i32
  }
  func.func @transform_4(%arg0: i32) -> (i32, i32) {
    %c0_i32 = arith.constant 0 : i32
    %c0_i32_0 = arith.constant 0 : i32
    return %arg0, %c0_i32 : i32, i32
  }
}

module attributes {stable_mosaic.version = 14 : i64} {
  func.func @_combine_body(%arg0: i32, %arg1: memref<2x1000x144xf32, #tpu.memory_space<vmem>>, %arg2: memref<8x128xf32, #tpu.memory_space<vmem>>, %arg3: memref<1000x128xf32, #tpu.memory_space<vmem>>) attributes {dimension_semantics = [#tpu.dimension_semantics<arbitrary>], iteration_bounds = array<i64: 10>, scalar_prefetch = 0 : i64, scratch_operands = 0 : i64, tpu.core_type = #tpu.core_type<tc>, window_params = [{transform_indices = @transform_0, window_bounds = array<i64: 2, 1000, 144>}, {pipeline_mode = #tpu.pipeline_mode<synchronous>, transform_indices = @transform_1, window_bounds = array<i64: 8, 128>}, {transform_indices = @transform_2, window_bounds = array<i64: 1000, 128>}]} {
    %get3A = arith.constant 0 : index
    %get3A_0 = arith.constant 0 : index
    %get3A_1 = arith.constant 0 : index
    %get3A_2 = vector.load %arg1[%get3A, %get3A_0, %get3A_1] : memref<2x1000x144xf32, #tpu.memory_space<vmem>>, vector<1x1000x144xf32>
    %get3A_3 = vector.shape_cast %get3A_2 : vector<1x1000x144xf32> to vector<1000x144xf32>
    %get3A_4 = arith.constant 1 : index
    %get3A_5 = arith.constant 0 : index
    %get3A_6 = arith.constant 0 : index
    %get3A_7 = vector.load %arg1[%get3A_4, %get3A_5, %get3A_6] : memref<2x1000x144xf32, #tpu.memory_space<vmem>>, vector<1x1000x144xf32>
    %get3A_8 = vector.shape_cast %get3A_7 : vector<1x1000x144xf32> to vector<1000x144xf32>
    %add3A = arith.addf %get3A_3, %get3A_8 : vector<1000x144xf32>
    %slice3A = vector.extract_strided_slice %add3A {offsets = [0, 0], sizes = [1000, 128], strides = [1, 1]} : vector<1000x144xf32> to vector<1000x128xf32>
    %slice3A_9 = vector.extract_strided_slice %add3A {offsets = [0, 128], sizes = [1000, 8], strides = [1, 1]} : vector<1000x144xf32> to vector<1000x8xf32>
    %get3A_10 = arith.constant 0 : index
    %get3A_11 = arith.constant 0 : index
    %get3A_12 = vector.load %arg2[%get3A_10, %get3A_11] : memref<8x128xf32, #tpu.memory_space<vmem>>, vector<8x128xf32>
    %dot_general3A = arith.constant dense<0.000000e+00> : vector<1000x128xf32>
    %dot_general3A_13 = tpu.matmul %slice3A_9, %get3A_12, %dot_general3A {dimension_numbers = #tpu.dot_dimension_numbers<[1], [0], [0], [1], [0, 0, 1, 1], [], []>, transpose_lhs_hint = false} : vector<1000x8xf32>, vector<8x128xf32>, vector<1000x128xf32> -> vector<1000x128xf32>
    %add3A_14 = arith.constant 1.000000e-16 : f32
    %add3A_15 = vector.broadcast %add3A_14 : f32 to vector<1000x128xf32>
    %add3A_16 = arith.addf %dot_general3A_13, %add3A_15 : vector<1000x128xf32>
    %div3A = arith.divf %slice3A, %add3A_16 : vector<1000x128xf32>
    %swap3A = arith.constant 0 : index
    %swap3A_17 = arith.constant 0 : index
    %swap3A_18 = vector.load %arg3[%swap3A, %swap3A_17] : memref<1000x128xf32, #tpu.memory_space<vmem>>, vector<1000x128xf32>
    tpu.vector_store %arg3[%swap3A, %swap3A_17], %div3A {strides = array<i32>} : memref<1000x128xf32, #tpu.memory_space<vmem>>, vector<1000x128xf32>,
    return
  }
  func.func @transform_0(%arg0: i32) -> (i32, i32, i32) {
    %c0_i32 = arith.constant 0 : i32
    %c0_i32_0 = arith.constant 0 : i32
    %c0_i32_1 = arith.constant 0 : i32
    return %c0_i32, %arg0, %c0_i32_0 : i32, i32, i32
  }
  func.func @transform_1(%arg0: i32) -> (i32, i32) {
    %c0_i32 = arith.constant 0 : i32
    %c0_i32_0 = arith.constant 0 : i32
    %c0_i32_1 = arith.constant 0 : i32
    return %c0_i32, %c0_i32_0 : i32, i32
  }
  func.func @transform_2(%arg0: i32) -> (i32, i32) {
    %c0_i32 = arith.constant 0 : i32
    %c0_i32_0 = arith.constant 0 : i32
    return %arg0, %c0_i32 : i32, i32
  }
}

</mosaic_0001>

<sc_bundles>
// kernel: kernel.5.cloned.1.call-start
scs
__scs_entry_jumppad:
0x0: {  	(pc) =	sbr.rel $0x88, $3  }
0x1: {  	(tag) =	ssettag $0x0;
	lr =	simm.s32 $0x1  }
0x2: {  	[smem:$0x3F9D] =	sst lr;
	_ =	strace $0xD0000000  }
0x3: {  	_ = 	snop  }
0x4: {  	_ = 	snop  }
0x5: {  	_ = 	snop  }
0x6: {  	_ = 	snop  }
0x7: {  	_ = 	snop  }
__scs_overlays_trampoline_lowered:
0x8: {  	[smem:$0x3FAC] =	sst s0  }
0x9: {  	[smem:$0x3FAD] =	sst s1  }
0xa: {  	[smem:$0x3FAE] =	sst s2  }
0xb: {  	[smem:$0x3FAF] =	sst s3  }
0xc: {  	[smem:$0x3FB0] =	sst s4  }
0xd: {  	[smem:$0x3FB1] =	sst s5  }
0xe: {  	[smem:$0x3FB2] =	sst s6  }
0xf: {  	[smem:$0x3FB3] =	sst s7  }
0x10: {  	[smem:$0x3FB4] =	sst s8  }
0x11: {  	[smem:$0x3FB5] =	sst s9;
	s0 =	simm.s32 @!p0 $0x0  }
0x12: {  	s1 =	sld [smem:$0x3F9B];
	s0 =	simm.s32 @p0 $0x1  }
0x13: {  	[smem:$0x3FB6] =	sst s0;
	s0 =	simm.s32 @!p1 $0x0  }
0x14: {  	s2 =	sld [smem:$0x3F9A];
	s0 =	simm.s32 @p1 $0x1  }
0x15: {  	[smem:$0x3FB7] =	sst s0;
	s0 =	simm.s32 @!p2 $0x0  }
0x16: {  	s3 =	sld [smem:$0x3FDB];
	s0 =	simm.s32 @p2 $0x1  }
0x17: {  	s4 =	simm.s32 $0x1BF5;
	[smem:$0x3FB9] =	sst s0  }
0x18: {  	s0 =	sld [smem:$0x3F9C];
	_ =	swait.ge [sflag:s4], $0x0  }
0x19: {  	s7 =	sld [smem:$0x3F9D]  }
0x1a: {  	s8 =	sadd.s32 $0xFFFFE003, lr  }
0x1b: {  	s9 =	sadd.s32 $0xFFFFFEF7, lr;
	s5 =	simm.s32 $0xFFFFFFFF;
	p2 =	slt.u32 s8, $0xFFFFF086  }
0x1c: {  	p1 =	slt.u32 s9, $0xF7A;
	s5 =	simm.s32 @!p2 $0x0  }
0x1d: {  	s5 =	simm.s32 @p1 $0x1;
	p0 =	seq.s32 s7, s2  }
0x1e: {  	s7 =	smul.u32 @!p0 $0xF7A, s2;
	p2 =	seq.s32 @!p0 s5, $0x0  }
0x1f: {  	s9 =	smul.u32 $0xF7A, s1;
	s8 =	simm.s32 @!p0 $0x1BF5;
	p2 =	por !p2, p0  }
0x20: {  	[sflag:s8] =	ssyncset.s32 @!p0 $0xFFFFF086;
	s6 =	sadd.s32 @!p0 s3, s7;
	s7 =	simm.s32 @!p0 $0x108  }
0x21: {  	s3 =	sadd.s32 s3, s9;
	s6 =	sadd.s32 @!p0 $0x88, s6;
	s7 =	simm.s32 @p2 $0x1082  }
0x22: {  	[simem:s7], [sflag:s8] =	dma.local @!p0 [hbm:s6], $0xF7A  }
0x23: {  	s9 =	sor.u32 $0xD0000000, s2;
	s6 =	simm.s32 $0x108;
	_ =	swait.ge @!p0 [sflag:s8], $0x0  }
0x24: {  	s3 =	sadd.s32 $0x88, s3;
	s6 =	simm.s32 @!p1 $0x1082;
	[sflag:s4] =	ssyncset.s32 $0xFFFFF086  }
0x25: {  	[simem:s6], [sflag:s4] =	dma.local [hbm:s3], $0xF7A  }
0x26: {  	[smem:$0x3F9D] =	sst s1;
	(tag) =	ssettag s2;
	_ =	strace s9  }
0x27: {  	s1 =	sld [smem:$0x3FAD]  }
0x28: {  	s2 =	sld [smem:$0x3FAE]  }
0x29: {  	s4 =	sld [smem:$0x3FB0]  }
0x2a: {  	p0 =	seq.s32 s5, $0x0;
	s5 =	sld [smem:$0x3FB1]  }
0x2b: {  	s6 =	sld [smem:$0x3FB2]  }
0x2c: {  	s7 =	sld [smem:$0x3FB3]  }
0x2d: {  	s3 =	simm.s32 $0x108;
	s8 =	sld [smem:$0x3FB4]  }
0x2e: {  	s3 =	simm.s32 @!p0 $0x1082;
	s9 =	sld [smem:$0x3FB5]  }
0x2f: {  	lr =	sadd.s32 s0, s3;
	s0 =	sld [smem:$0x3FAC]  }
0x30: {  	s3 =	sld [smem:$0x3FAF]  }
0x31: {  	[smem:$0x3FB8] =	sst s10  }
0x32: {  	s10 =	sld [smem:$0x3FB6];
	_ =	sdelay $0x3  }
0x33: {  	p0 =	seq.s32 s10, $0x1;
	s10 =	sld [smem:$0x3FB8];
	_ =	sdelay $0x3  }
0x34: {  	[smem:$0x3FB8] =	sst s10  }
0x35: {  	s10 =	sld [smem:$0x3FB7];
	_ =	sdelay $0x3  }
0x36: {  	p1 =	seq.s32 s10, $0x1;
	s10 =	sld [smem:$0x3FB8];
	_ =	sdelay $0x3  }
0x37: {  	[smem:$0x3FB8] =	sst s10  }
0x38: {  	s10 =	sld [smem:$0x3FB9]  }
0x39: {  	_ = 	snop;
	(pc) =	sbr.ind lr, $3  }
0x3a: {  	_ = 	snop  }
0x3b: {  	_ = 	snop  }
0x3c: {  	p2 =	seq.s32 s10, $0x1;
	s10 =	sld [smem:$0x3FB8]  }
0x3d: {  	_ =	shalt  }
0x3e: {  	_ =	shalt  }
0x3f: {  	_ =	shalt  }
0x40: {  	_ =	shalt  }
0x41: {  	_ =	shalt  }
0x42: {  	_ =	shalt  }
0x43: {  	_ =	shalt  }
0x44: {  	_ =	shalt  }
0x45: {  	_ =	shalt  }
0x46: {  	_ =	shalt  }
0x47: {  	_ =	shalt  }
0x48: {  	_ =	shalt  }
0x49: {  	_ =	shalt  }
0x4a: {  	_ =	shalt  }
0x4b: {  	_ =	shalt  }
0x4c: {  	_ =	shalt  }
0x4d: {  	_ =	shalt  }
0x4e: {  	_ =	shalt  }
0x4f: {  	_ =	shalt  }
0x50: {  	_ =	shalt  }
0x51: {  	_ =	shalt  }
0x52: {  	_ =	shalt  }
0x53: {  	_ =	shalt  }
0x54: {  	_ =	shalt  }
0x55: {  	_ =	shalt  }
0x56: {  	_ =	shalt  }
0x57: {  	_ =	shalt  }
0x58: {  	_ =	shalt  }
0x59: {  	_ =	shalt  }
0x5a: {  	_ =	shalt  }
0x5b: {  	_ =	shalt  }
0x5c: {  	_ =	shalt  }
0x5d: {  	_ =	shalt  }
0x5e: {  	_ =	shalt  }
0x5f: {  	_ =	shalt  }
0x60: {  	_ =	shalt  }
0x61: {  	_ =	shalt  }
0x62: {  	_ =	shalt  }
0x63: {  	_ =	shalt  }
0x64: {  	_ =	shalt  }
0x65: {  	_ =	shalt  }
0x66: {  	_ =	shalt  }
0x67: {  	_ =	shalt  }
0x68: {  	_ =	shalt  }
0x69: {  	_ =	shalt  }
0x6a: {  	_ =	shalt  }
0x6b: {  	_ =	shalt  }
0x6c: {  	_ =	shalt  }
0x6d: {  	_ =	shalt  }
0x6e: {  	_ =	shalt  }
0x6f: {  	_ =	shalt  }
0x70: {  	_ =	shalt  }
0x71: {  	_ =	shalt  }
0x72: {  	_ =	shalt  }
0x73: {  	_ =	shalt  }
0x74: {  	_ =	shalt  }
0x75: {  	_ =	shalt  }
0x76: {  	_ =	shalt  }
0x77: {  	_ =	shalt  }
0x78: {  	_ =	shalt  }
0x79: {  	_ =	shalt  }
0x7a: {  	_ =	shalt  }
0x7b: {  	_ =	shalt  }
0x7c: {  	_ =	shalt  }
0x7d: {  	_ =	shalt  }
0x7e: {  	_ =	shalt  }
0x7f: {  	_ =	shalt  }
0x80: {  	_ =	shalt  }
0x81: {  	_ =	shalt  }
0x82: {  	_ =	shalt  }
0x83: {  	_ =	shalt  }
0x84: {  	_ =	shalt  }
0x85: {  	_ =	shalt  }
0x86: {  	_ =	shalt  }
0x87: {  	_ =	shalt  }
.Lfunc_end0:
.L_simem_size_0:
called_computation_lowered:
.L_overlay_start_0:
0x88: {  	s2 =	sld [smem:$0x3FD9]  }
0x89: {  	s3 =	sld [smem:$0x3FFE];
	_ =	sdelay $0x1  }
0x8a: {  	s1 =	srdreg.scid  }
0x8b: {  	s0 =	sand.u32 $0x1, s1  }
0x8c: {  	s17 =	sshll.u32 s0, $0xA;
	s2 =	sadd.s32 s3, s2  }
0x8d: {  	s2 =	sadd.s32 s2, s17  }
0x8e: {  	[smem:$0x3FC4] =	sst s2  }
0x8f: {  	_ = 	snop  }
0x90: {  	s2 =	sld [smem:$0x3FD0];
	(tm) =	ssettm $0x1  }
0x91: {  	s18 =	sld [smem:$0x3FFB];
	_ =	sdelay $0x3  }
0x92: {  	_ =	strace s18  }
0x93: {  	s3 =	sld [smem:$0x3FFC];
	_ =	sdelay $0x3  }
0x94: {  	_ =	strace s3  }
0x95: {  	s3 =	sld [smem:$0x3FFD];
	_ =	sdelay $0x3  }
0x96: {  	_ =	strace s3  }
0x97: {  	_ =	strace $0x8FFFFFFF  }
0x98: {  	s19 =	sld [smem:$0x3FDB];
	_ =	sdelay $0x1  }
0x99: {  	s4 =	simm.s32 $_scs_section_size  }
0x9a: {  	s5 =	simm.s32 $_size__tile_overlayer_lowered;
	s6 =	simm.s32 $_tile_overlayer_lowered  }
0x9b: {  	s22 =	simm.s32 $0x1BFF;
	s21 =	sshll.u32 s6, $0x1;
	s3 =	sadd.s32 s4, s19  }
0x9c: {  	s7 =	simm.s32 $0x0;
	s20 =	sshll.u32 s5, $0x1;
	s5 =	sadd.s32 s21, s3  }
0x9d: {  	[timem:s7], [sflag:s22] =	dma.local [hbm:s5], s20  }
0x9e: {  	_ =	swait.ge [sflag:s22], s20  }
0x9f: {  	s4 =	ssub.s32 $0x0, s20;
	[sflag:s22] =	ssyncset.done $0x0  }
0xa0: {  	[sflag:s22] =	ssyncadd.s32 s4;
	_ =	sdelay $0x1  }
0xa1: {  	s23 =	simm.s32 $0x1B8B  }
0xa2: {  	_ =	swait.ge [sflag:s23], $0x1  }
0xa3: {  	[sflag:s23] =	ssyncset.done $0x0  }
0xa4: {  	s25 =	simm.s32 $0x1B8E;
	s24 =	sld [smem:$0x3FFE];
	[sflag:s23] =	ssyncadd.s32 $0xFFFFFFFF  }
0xa5: {  	s26 =	simm.s32 $execute0_lowered;
	[smem:$0x3FD2] =	sst s25  }
0xa6: {  	s5 =	sshll.u32 s26, $0x1;
	_ =	strace $0x80000046;
	[dreg:$0x1] =	wrdreg $0xFFFFFFFF  }
0xa7: {  	s28 =	simm.s32 $_size_execute0_lowered;
	s3 =	sadd.s32 s3, s5;
	[dreg:$0x0] =	wrdreg $0x0  }
0xa8: {  	s5 =	sshll.u32 s28, $0x1;
	[dreg:$0x2] =	wrdreg s3  }
0xa9: {  	[dreg:$0x3] =	wrdreg s5  }
0xaa: {  	[dreg:$0x4] =	wrdreg $0xC0  }
0xab: {  	_ =	task [dreg:s7], $0x5FFFF  }
0xac: {  	[dreg:$0x1] =	wrdreg $0xFFFFFFFF  }
0xad: {  	[dreg:$0x0] =	wrdreg $0x60  }
0xae: {  	[dreg:$0x2] =	wrdreg s2  }
0xaf: {  	[dreg:$0x3] =	wrdreg s24  }
0xb0: {  	[dreg:$0x4] =	wrdreg $0x0  }
0xb1: {  	[dreg:$0x5] =	wrdreg $0x9  }
0xb2: {  	_ =	task.clear_ibuf [dreg:s7], $0x6FFFF;
	_ =	strace $0x90000046  }
0xb3: {  	s29 =	simm.s32 $0x9;
	_ =	strace $0x80000048  }
0xb4: {  	_ =	swait.ge [sflag:s29], $0x1  }
0xb5: {  	[sflag:s29] =	ssyncadd.s32 $0xFFFFFFFF  }
0xb6: {  	_ =	strace $0x90000048  }
0xb7: {  	_ =	sfence  }
0xb8: {  	s30 =	sld [smem:$0x0];
	_ =	sdelay $0x2  }
0xb9: {  	s31 =	sshll.u32 s1, $0xD;
	s1 =	sshrl.u32 s1, $0x2  }
0xba: {  	s3 =	sand.u32 $0x4000, s31;
	s1 =	sadd.s32 s1, s30  }
0xbb: {  	s0 =	sor.u32 s3, s0;
	s1 =	sshll.u32 s1, $0x11  }
0xbc: {  	s0 =	sor.u32 s1, s0  }
0xbd: {  	s0 =	sadd.s32 $0x8F2B, s0  }
0xbe: {  	[sflag:s0] =	ssyncadd.remote.s32 $0x1  }
0xbf: {  	_ =	sfence.sel $0xFFFF  }
0xc0: {  	[dreg:$0x0] =	wrdreg $0xFFFFFFFF;
	(pc) =	sbr.abs _section_cstart, $3  }
0xc1: {  	[dreg:$0x1] =	wrdreg $0xFFFFFFFF  }
0xc2: {  	_ =	task.clear_ibuf [dreg:s7], $0x2FFFF;
	_ =	strace $0x9FFFFFFF  }
0xc3: {  	(tm) =	ssettm $0x7FFFFFFF  }
tec
execute0_lowered:
.L_overlay_start_1:
0x0: {  	(tag) =	ssettag $0x1  }
0x1: {  	s1 =	rddreg [dreg:$0x0]  }
0x2: {  	s0 =	rddreg [dreg:$0x1]  }
0x3: {  	s2 =	rddreg [dreg:$0x2];
	s4 =	simm.s32 $0x0  }
0x4: {  	s3 =	srdreg.scid;
	s9 =	stileid.u32;
	s28 =	simm.s32 $0x64  }
0x5: {  	s29 =	simm.s32 $0x18830;
	s30 =	simm.s32 $0x1;
	s31 =	simm.s32 $0x1A770  }
0x6: {  	[smem:$0x7FF] =	sst s4;
	s3 =	sand.u32 $0x1, s3;
	s5 =	sadd.s32 $0xAE00, s0  }
0x7: {  	s13 =	smul.u32 $0x15F90, s9;
	s6 =	sadd.s32 $0xA00, s0;
	s0 =	sadd.s32 $0x15200, s0  }
0x8: {  	_ =	strace $0x80000047;
	s7 =	ssub.s32 $0x2, s3;
	s20 =	sshll.u32 s3, $0x4  }
0x9: {  	s3 =	smul.u32 $0x15F900, s3;
	s8 =	sshrl.u32 s7, $0x1;
	s16 =	sadd.s32 $0x3840, s13  }
0xa: {  	s14 =	sor.u32 s9, s20;
	s17 =	sadd.s32 $0x7080, s13;
	s18 =	sadd.s32 $0xA8C0, s13  }
0xb: {  	s19 =	sadd.s32 $0xE100, s13;
	s20 =	sadd.s32 $0x11940, s13;
	s22 =	sadd.s32 $0x15180, s13  }
0xc: {  	s15 =	ssub.s32 s7, s8;
	s7 =	sadd.s32 s13, s2;
	s8 =	sadd.s32 s16, s2  }
0xd: {  	s9 =	sadd.s32 s17, s2;
	s10 =	sadd.s32 s18, s2;
	s11 =	sadd.s32 s19, s2  }
0xe: {  	s21 =	sadd.s32 s13, s3;
	s12 =	sadd.s32 s20, s2;
	s13 =	sadd.s32 s22, s2  }
0xf: {  	s14 =	smul.u32 $0x64, s14;
	s16 =	sadd.s32 s3, s16;
	s17 =	sadd.s32 s3, s17  }
0x10: {  	s18 =	sadd.s32 s3, s18;
	s24 =	sadd.s32 s3, s19;
	s25 =	sadd.s32 s3, s20  }
0x11: {  	s3 =	sadd.s32 s3, s22;
	s21 =	sshrl.u32 s21, $0x3;
	s16 =	sshrl.u32 s16, $0x3  }
0x12: {  	s17 =	sshrl.u32 s17, $0x3;
	s18 =	sshrl.u32 s18, $0x3;
	s21 =	sadd.s32 s0, s21  }
0x13: {  	s3 =	sshrl.u32 s3, $0x3;
	s16 =	sadd.s32 s0, s16;
	[dreg:$0x4] =	wrdreg s21  }
0x14: {  	s22 =	smax.u32 s15, $0x1;
	s23 =	sadd.s32 s0, s18;
	[dreg:$0x5] =	wrdreg s16  }
0x15: {  	s15 =	simm.s32 $0x0;
	s21 =	sadd.s32 s0, s17;
	[dreg:$0x7] =	wrdreg s23  }
0x16: {  	s16 =	sshrl.u32 s24, $0x3;
	s17 =	sshrl.u32 s25, $0x3;
	s23 =	simm.s32 $0x1C6B0  }
0x17: {  	s24 =	simm.s32 $0x4;
	[dreg:$0x6] =	wrdreg s21;
	s16 =	sadd.s32 s0, s16  }
0x18: {  	s25 =	simm.s32 $0x15F90;
	s26 =	sadd.s32 s0, s17;
	[dreg:$0x8] =	wrdreg s16  }
0x19: {  	s0 =	sadd.s32 s0, s3;
	s3 =	simm.s32 $0x3;
	[dreg:$0x9] =	wrdreg s26  }
0x1a: {  	v0 =	vimm.f32 $0.0e+00;
	[dreg:$0xa] =	wrdreg s0;
	s26 =	simm.s32 $0x173E0;
	s0 =	simm.s32 $0x2  }
.LBB2_1:
0x1b: {  	s16 =	simm.s32 $0x0;
	s17 =	simm.s32 $0x240  }
.LBB2_2:
0x1c: {  	p0 =	sne.s32 s17, $0xDEC0;
	[tilespmem:s16+$0x1C730] =	vst v0  }
0x1d: {  	[tilespmem:s16+$0x1C6B0] =	vst v0  }
0x1e: {  	[tilespmem:s16+$0x1C6C0] =	vst v0  }
0x1f: {  	[tilespmem:s16+$0x1C6D0] =	vst v0  }
.Ltmp0:
0x20: {  	[tilespmem:s16+$0x1C6E0] =	vst v0;
	(pc) =	sbr.rel @p0 .LBB2_2-.Ltmp0, $4  }
0x21: {  	[tilespmem:s16+$0x1C6F0] =	vst v0  }
0x22: {  	[tilespmem:s16+$0x1C700] =	vst v0  }
0x23: {  	[tilespmem:s16+$0x1C710] =	vst v0  }
0x24: {  	[tilespmem:s16+$0x1C720] =	vst v0;
	s16 =	sshra.s32 s17, $0x2;
	s17 =	sadd.s32 $0x240, s17  }
0x25: {  	[tilespmem:s16+$0x1C730] =	vst v0  }
0x26: {  	[tilespmem:s16+$0x1C6B0] =	vst v0  }
0x27: {  	[tilespmem:s16+$0x1C6C0] =	vst v0  }
0x28: {  	[tilespmem:s16+$0x1C6D0] =	vst v0  }
0x29: {  	[tilespmem:s16+$0x1C6E0] =	vst v0  }
0x2a: {  	[tilespmem:s16+$0x1C6F0] =	vst v0  }
0x2b: {  	[tilespmem:s16+$0x1C700] =	vst v0  }
0x2c: {  	[tilespmem:s16+$0x1C710] =	vst v0  }
0x2d: {  	[tilespmem:s16+$0x1C720] =	vst v0  }
0x2e: {  	[spmem:s7] =	stream.linear.scatter [tilespmem:s23], [sflag:$0x4], $0x3840, $0x38;
	[tilespmem:$0x1FEF0] =	vst v63  }
0x2f: {  	_ =	swait.ge [sflag:s24], $0x3840  }
0x30: {  	[sflag:s24] =	ssyncset.done $0x0  }
0x31: {  	[sflag:s24] =	ssyncadd.s32 $0xFFFFC7C0  }
0x32: {  	[spmem:s8] =	stream.linear.scatter [tilespmem:s23], [sflag:$0x4], $0x3840, $0x38;
	[tilespmem:$0x1FEF0] =	vst v63  }
0x33: {  	_ =	swait.ge [sflag:s24], $0x3840  }
0x34: {  	[sflag:s24] =	ssyncset.done $0x0  }
0x35: {  	[sflag:s24] =	ssyncadd.s32 $0xFFFFC7C0  }
0x36: {  	[spmem:s9] =	stream.linear.scatter [tilespmem:s23], [sflag:$0x4], $0x3840, $0x38;
	[tilespmem:$0x1FEF0] =	vst v63  }
0x37: {  	_ =	swait.ge [sflag:s24], $0x3840  }
0x38: {  	[sflag:s24] =	ssyncset.done $0x0  }
0x39: {  	[sflag:s24] =	ssyncadd.s32 $0xFFFFC7C0  }
0x3a: {  	[spmem:s10] =	stream.linear.scatter [tilespmem:s23], [sflag:$0x4], $0x3840, $0x38;
	[tilespmem:$0x1FEF0] =	vst v63  }
0x3b: {  	_ =	swait.ge [sflag:s24], $0x3840  }
0x3c: {  	[sflag:s24] =	ssyncset.done $0x0  }
0x3d: {  	[sflag:s24] =	ssyncadd.s32 $0xFFFFC7C0  }
0x3e: {  	[spmem:s11] =	stream.linear.scatter [tilespmem:s23], [sflag:$0x4], $0x3840, $0x38;
	[tilespmem:$0x1FEF0] =	vst v63  }
0x3f: {  	_ =	swait.ge [sflag:s24], $0x3840  }
0x40: {  	[sflag:s24] =	ssyncset.done $0x0  }
0x41: {  	[sflag:s24] =	ssyncadd.s32 $0xFFFFC7C0  }
0x42: {  	[spmem:s12] =	stream.linear.scatter [tilespmem:s23], [sflag:$0x4], $0x3840, $0x38;
	[tilespmem:$0x1FEF0] =	vst v63  }
0x43: {  	_ =	swait.ge [sflag:s24], $0x3840  }
0x44: {  	[sflag:s24] =	ssyncset.done $0x0  }
0x45: {  	[sflag:s24] =	ssyncadd.s32 $0xFFFFC7C0  }
0x46: {  	[spmem:s13] =	stream.linear.scatter [tilespmem:s23], [sflag:$0x4], $0xE10, $0x38;
	[tilespmem:$0x1FEF0] =	vst v63  }
0x47: {  	_ =	swait.ge [sflag:s24], $0xE10  }
0x48: {  	[sflag:s24] =	ssyncset.done $0x0  }
0x49: {  	s16 =	simm.s32 $0x0;
	[sflag:s24] =	ssyncadd.s32 $0xFFFFF1F0  }
0x4a: {  	p1 =	por $0x1, $0x1;
	s17 =	simm.s32 $0x0;
	[bflag:$0x0] =	sbarrier.arrive $0xFFFF  }
.LBB2_4:
0x4b: {  	s17 =	sadd.s32 s14, s17  }
0x4c: {  	s17 =	smul.u32 $0xD, s17;
	_ =	sdelay $0x1  }
0x4d: {  	s18 =	sadd.s32 s5, s17  }
0x4e: {  	[tilespmem:s25], [sflag:$0x4] =	stream.linear.gather [hbm4b:s18+s16], $0x1450, $0x38;
	[tilespmem:$0x1FEF0] =	vst v63  }
0x4f: {  	_ =	swait.ge [sflag:s24], $0x1450  }
0x50: {  	[sflag:s24] =	ssyncset.done $0x0  }
0x51: {  	s17 =	sadd.s32 s6, s17;
	[sflag:s24] =	ssyncadd.s32 $0xFFFFEBB0  }
0x52: {  	[tilespmem:s26], [sflag:$0x4] =	stream.linear.gather [hbm4b:s17+s16], $0x1450, $0x38;
	[tilespmem:$0x1FEF0] =	vst v63  }
0x53: {  	_ =	swait.ge [sflag:s24], $0x1450  }
0x54: {  	[sflag:s24] =	ssyncset.done $0x0  }
0x55: {  	p0 =	por p1, p1;
	s17 =	simm.s32 $0x0;
	[sflag:s24] =	ssyncadd.s32 $0xFFFFEBB0  }
0x56: {  	[tilespmem:s29], [sflag:$0x1] =	stream.indirect.gather [hbm4b:s1+s28], $0x50, s25, s28, $0xb8;
	[tilespmem:$0x1FEF0] =	vst v63  }
.LBB2_5:
0x57: {  	_ =	swait.ge [sflag:s30], $0x1F40;
	s18 =	smul.u32 $0xD0, s17  }
0x58: {  	[sflag:s30] =	ssyncset.done $0x0  }
0x59: {  	p1 =	seq.s32 s17, $0x0;
	[sflag:s30] =	ssyncadd.s32 $0xFFFFE0C0;
	s19 =	sadd.s32 $0x15FF8, s18  }
0x5a: {  	[tilespmem:s31], [sflag:$0x2] =	stream.indirect.gather [hbm4b:s1+s28], $0x50, s19, s28, $0xb8;
	[tilespmem:$0x1FEF0] =	vst v63  }
0x5b: {  	s19 =	simm.s32 @!p1 $0x3  }
0x5c: {  	_ =	swait.ge @!p1 [sflag:s19], $0x3840  }
0x5d: {  	[sflag:s19] =	ssyncset.done @!p1 $0x0  }
0x5e: {  	s20 =	simm.s32 $0x0;
	[sflag:s19] =	ssyncadd.s32 @!p1 $0xFFFFC7C0  }
0x5f: {  	v1 =	vld [tilespmem:s20+$0x188C0]  }
0x60: {  	v2 =	vld [tilespmem:s20+$0x18830];
	_ =	sdelay $0x1  }
0x61: {  	v3 =	vld [tilespmem:s20+$0x18840];
	_ =	sdelay $0x1  }
0x62: {  	s19 =	simm.s32 $0x1C740;
	v4 =	vld [tilespmem:s20+$0x18850];
	v1 =	vshll.u32 v1, $0x10  }
0x63: {  	v5 =	vshll.u32 v2, $0x10;
	[tilespmem:s19+$0x40] =	vst v1  }
0x64: {  	v2 =	vand.u32 $0xFFFF0000, v2;
	v1 =	vld [tilespmem:s20+$0x18860];
	[tilespmem:s19+$0xFFFFFF70] =	vst v5  }
0x65: {  	v7 =	vld [tilespmem:s20+$0x18890];
	v6 =	vshll.u32 v3, $0x10;
	[tilespmem:s19+$0xFFFFFFC0] =	vst v2  }
0x66: {  	v3 =	vand.u32 $0xFFFF0000, v3;
	v5 =	vld [tilespmem:s20+$0x18870];
	[tilespmem:s19+$0xFFFFFF80] =	vst v6  }
0x67: {  	v2 =	vld [tilespmem:s20+$0x18880];
	v6 =	vshll.u32 v4, $0x10;
	[tilespmem:s19+$0xFFFFFFD0] =	vst v3  }
0x68: {  	v8 =	vld [tilespmem:s20+$0x188A0];
	v3 =	vand.u32 $0xFFFF0000, v4;
	[tilespmem:s19+$0xFFFFFF90] =	vst v6  }
0x69: {  	v9 =	vld [tilespmem:s20+$0x188B0];
	[tilespmem:s19+$0xFFFFFFE0] =	vst v3;
	v4 =	vshll.u32 v1, $0x10  }
0x6a: {  	v1 =	vand.u32 $0xFFFF0000, v1;
	[tilespmem:s19+$0xFFFFFFA0] =	vst v4  }
0x6b: {  	v3 =	vshll.u32 v5, $0x10;
	[tilespmem:s19+$0xFFFFFFF0] =	vst v1  }
0x6c: {  	v6 =	vshll.u32 v7, $0x10;
	v10 =	vand.u32 $0xFFFF0000, v2;
	[tilespmem:s19+$0xFFFFFFB0] =	vst v3  }
0x6d: {  	v5 =	vshll.u32 v8, $0x10;
	v1 =	vshll.u32 v2, $0x10;
	v4 =	vand.u32 $0xFFFF0000, v7;
	[tilespmem:s19+$0x50] =	vst v10  }
0x6e: {  	s21 =	simm.s32 $0x500;
	s18 =	sadd.s32 $0x68, s18;
	s20 =	simm.s32 $0xA0;
	v2 =	vand.u32 $0xFFFF0000, v8;
	v3 =	vshll.u32 v9, $0x10;
	[tilespmem:s19+$0x0] =	vst v1;
	v1 =	vand.u32 $0xFFFF0000, v9  }
.LBB2_6:
0x6f: {  	p1 =	sne.s32 s21, $0x7A80;
	v7 =	vld [tilespmem:s20+$0x188C0];
	[tilespmem:s19+$0x10] =	vst v6  }
0x70: {  	v6 =	vld [tilespmem:s20+$0x18830];
	[tilespmem:s19+$0x60] =	vst v4  }
0x71: {  	v4 =	vld [tilespmem:s20+$0x18840];
	[tilespmem:s19+$0x20] =	vst v5  }
0x72: {  	v5 =	vld [tilespmem:s20+$0x18850];
	[tilespmem:s19+$0x70] =	vst v2  }
0x73: {  	v2 =	vld [tilespmem:s20+$0x18860];
	[tilespmem:s19+$0x30] =	vst v3  }
0x74: {  	v3 =	vld [tilespmem:s20+$0x18870];
	v7 =	vshll.u32 v7, $0x10;
	[tilespmem:s19+$0x80] =	vst v1;
	s19 =	sadd.s32 $0x120, s19  }
0x75: {  	v1 =	vshll.u32 v6, $0x10;
	v6 =	vand.u32 $0xFFFF0000, v6;
	v8 =	vld [tilespmem:s20+$0x18880];
	[tilespmem:s19+$0x40] =	vst v7  }
0x76: {  	[tilespmem:s19+$0xFFFFFF70] =	vst v1;
	v1 =	vshll.u32 v4, $0x10;
	v4 =	vand.u32 $0xFFFF0000, v4;
	v7 =	vld [tilespmem:s20+$0x18890]  }
0x77: {  	[tilespmem:s19+$0xFFFFFFC0] =	vst v6;
	v6 =	vshll.u32 v5, $0x10;
	v5 =	vand.u32 $0xFFFF0000, v5;
	v9 =	vld [tilespmem:s20+$0x188A0]  }
0x78: {  	[tilespmem:s19+$0xFFFFFF80] =	vst v1;
	v1 =	vshll.u32 v2, $0x10;
	v10 =	vand.u32 $0xFFFF0000, v2;
	v11 =	vld [tilespmem:s20+$0x188B0]  }
0x79: {  	[tilespmem:s19+$0xFFFFFFD0] =	vst v4;
	v12 =	vshll.u32 v3, $0x10  }
0x7a: {  	[tilespmem:s19+$0xFFFFFF90] =	vst v6;
	v13 =	vshll.u32 v8, $0x10;
	v8 =	vand.u32 $0xFFFF0000, v8  }
0x7b: {  	[tilespmem:s19+$0xFFFFFFE0] =	vst v5;
	v6 =	vshll.u32 v7, $0x10;
	v4 =	vand.u32 $0xFFFF0000, v7  }
.Ltmp1:
0x7c: {  	[tilespmem:s19+$0xFFFFFFA0] =	vst v1;
	v5 =	vshll.u32 v9, $0x10;
	v2 =	vand.u32 $0xFFFF0000, v9;
	(pc) =	sbr.rel @p1 .LBB2_6-.Ltmp1, $4  }
0x7d: {  	[tilespmem:s19+$0xFFFFFFF0] =	vst v10;
	v3 =	vshll.u32 v11, $0x10;
	v1 =	vand.u32 $0xFFFF0000, v11  }
0x7e: {  	[tilespmem:s19+$0xFFFFFFB0] =	vst v12  }
0x7f: {  	[tilespmem:s19+$0x0] =	vst v13  }
0x80: {  	s20 =	sshra.s32 s21, $0x2;
	s21 =	sadd.s32 $0x280, s21;
	[tilespmem:s19+$0x50] =	vst v8  }
0x81: {  	v7 =	vld [tilespmem:s20+$0x188C0];
	[tilespmem:s19+$0x10] =	vst v6  }
0x82: {  	v6 =	vld [tilespmem:s20+$0x18830];
	[tilespmem:s19+$0x60] =	vst v4  }
0x83: {  	[tilespmem:s19+$0x20] =	vst v5  }
0x84: {  	[tilespmem:s19+$0x70] =	vst v2;
	v2 =	vld [tilespmem:s20+$0x18850]  }
0x85: {  	v4 =	vld [tilespmem:s20+$0x18840];
	[tilespmem:s19+$0x30] =	vst v3  }
0x86: {  	[tilespmem:s19+$0x80] =	vst v1;
	s19 =	sadd.s32 $0x120, s19;
	v3 =	vshll.u32 v7, $0x10  }
0x87: {  	v1 =	vshll.u32 v6, $0x10;
	[tilespmem:s19+$0x40] =	vst v3  }
0x88: {  	v5 =	vand.u32 $0xFFFF0000, v6;
	v3 =	vld [tilespmem:s20+$0x18860];
	[tilespmem:s19+$0xFFFFFF70] =	vst v1  }
0x89: {  	v6 =	vshll.u32 v2, $0x10;
	[tilespmem:s19+$0xFFFFFFC0] =	vst v5  }
0x8a: {  	v1 =	vshll.u32 v4, $0x10;
	v5 =	vld [tilespmem:s20+$0x18870];
	[tilespmem:s19+$0xFFFFFF90] =	vst v6  }
0x8b: {  	v2 =	vand.u32 $0xFFFF0000, v2;
	[tilespmem:s19+$0xFFFFFF80] =	vst v1;
	v1 =	vld [tilespmem:s20+$0x18880]  }
0x8c: {  	v4 =	vand.u32 $0xFFFF0000, v4;
	[tilespmem:s19+$0xFFFFFFE0] =	vst v2  }
0x8d: {  	[tilespmem:s19+$0xFFFFFFD0] =	vst v4;
	v4 =	vld [tilespmem:s20+$0x18890];
	v6 =	vshll.u32 v3, $0x10  }
0x8e: {  	v2 =	vand.u32 $0xFFFF0000, v3;
	[tilespmem:s19+$0xFFFFFFA0] =	vst v6  }
0x8f: {  	v3 =	vld [tilespmem:s20+$0x188A0];
	v5 =	vshll.u32 v5, $0x10;
	[tilespmem:s19+$0xFFFFFFF0] =	vst v2  }
0x90: {  	v2 =	vshll.u32 v1, $0x10;
	[tilespmem:s19+$0xFFFFFFB0] =	vst v5  }
0x91: {  	v5 =	vld [tilespmem:s20+$0x188B0];
	v1 =	vand.u32 $0xFFFF0000, v1;
	[tilespmem:s19+$0x0] =	vst v2  }
0x92: {  	v2 =	vshll.u32 v4, $0x10;
	[tilespmem:s19+$0x50] =	vst v1  }
0x93: {  	v1 =	vand.u32 $0xFFFF0000, v4;
	[tilespmem:s19+$0x10] =	vst v2  }
0x94: {  	[tilespmem:s19+$0x60] =	vst v1;
	v2 =	vshll.u32 v3, $0x10  }
0x95: {  	s20 =	smul.u32 $0x340, s17;
	v1 =	vand.u32 $0xFFFF0000, v3;
	[tilespmem:s19+$0x20] =	vst v2  }
0x96: {  	v2 =	vshll.u32 v5, $0x10;
	[tilespmem:s19+$0x70] =	vst v1  }
0x97: {  	s21 =	sshra.s32 s20, $0x2;
	v1 =	vand.u32 $0xFFFF0000, v5;
	[tilespmem:s19+$0x30] =	vst v2  }
0x98: {  	s21 =	sadd.s32 $0x173E0, s21;
	[tilespmem:s19+$0x80] =	vst v1  }
0x99: {  	[spmem:s2] =	stream.indirect.scatter.add.f32 [tilespmem:s23], [sflag:$0x3], $0x90, s21, s28, $0xb8;
	[tilespmem:$0x1FEF0] =	vst v63  }
0x9a: {  	p1 =	seq.s32 s17, $0x18;
	_ =	swait.ge [sflag:s0], $0x1F40  }
0x9b: {  	s19 =	sshra.s32 @!p1 s20, $0x2;
	s20 =	simm.s32 @!p1 $0x64;
	[sflag:s0] =	ssyncset.done $0x0  }
0x9c: {  	s19 =	sadd.s32 @!p1 $0x16060, s19;
	s21 =	simm.s32 @!p1 $0x18830;
	[sflag:s0] =	ssyncadd.s32 $0xFFFFE0C0  }
0x9d: {  	[tilespmem:s21], [sflag:$0x1] =	stream.indirect.gather @!p1 [hbm4b:s1+s20], $0x50, s19, s20, $0xb8;
	[tilespmem:$0x1FEF0] =	vst v63  }
0x9e: {  	_ =	swait.ge [sflag:s3], $0x3840  }
0x9f: {  	[sflag:s3] =	ssyncset.done $0x0  }
0xa0: {  	s21 =	simm.s32 $0x0;
	[sflag:s3] =	ssyncadd.s32 $0xFFFFC7C0  }
0xa1: {  	v1 =	vld [tilespmem:s21+$0x1A800]  }
0xa2: {  	v2 =	vld [tilespmem:s21+$0x1A770];
	_ =	sdelay $0x1  }
0xa3: {  	v3 =	vld [tilespmem:s21+$0x1A780];
	_ =	sdelay $0x1  }
0xa4: {  	s19 =	simm.s32 $0x1C740;
	v4 =	vld [tilespmem:s21+$0x1A790];
	v1 =	vshll.u32 v1, $0x10  }
0xa5: {  	v5 =	vshll.u32 v2, $0x10;
	[tilespmem:s19+$0x40] =	vst v1  }
0xa6: {  	v2 =	vand.u32 $0xFFFF0000, v2;
	v1 =	vld [tilespmem:s21+$0x1A7A0];
	[tilespmem:s19+$0xFFFFFF70] =	vst v5  }
0xa7: {  	v7 =	vld [tilespmem:s21+$0x1A7D0];
	v6 =	vshll.u32 v3, $0x10;
	[tilespmem:s19+$0xFFFFFFC0] =	vst v2  }
0xa8: {  	v3 =	vand.u32 $0xFFFF0000, v3;
	v5 =	vld [tilespmem:s21+$0x1A7B0];
	[tilespmem:s19+$0xFFFFFF80] =	vst v6  }
0xa9: {  	v2 =	vld [tilespmem:s21+$0x1A7C0];
	v6 =	vshll.u32 v4, $0x10;
	[tilespmem:s19+$0xFFFFFFD0] =	vst v3  }
0xaa: {  	v8 =	vld [tilespmem:s21+$0x1A7E0];
	v3 =	vand.u32 $0xFFFF0000, v4;
	[tilespmem:s19+$0xFFFFFF90] =	vst v6  }
0xab: {  	v9 =	vld [tilespmem:s21+$0x1A7F0];
	[tilespmem:s19+$0xFFFFFFE0] =	vst v3;
	v4 =	vshll.u32 v1, $0x10  }
0xac: {  	v1 =	vand.u32 $0xFFFF0000, v1;
	[tilespmem:s19+$0xFFFFFFA0] =	vst v4  }
0xad: {  	v3 =	vshll.u32 v5, $0x10;
	[tilespmem:s19+$0xFFFFFFF0] =	vst v1  }
0xae: {  	v6 =	vshll.u32 v7, $0x10;
	v10 =	vand.u32 $0xFFFF0000, v2;
	[tilespmem:s19+$0xFFFFFFB0] =	vst v3  }
0xaf: {  	v5 =	vshll.u32 v8, $0x10;
	v1 =	vshll.u32 v2, $0x10;
	v4 =	vand.u32 $0xFFFF0000, v7;
	[tilespmem:s19+$0x50] =	vst v10  }
0xb0: {  	s20 =	simm.s32 $0xA0;
	s21 =	simm.s32 $0x500;
	v2 =	vand.u32 $0xFFFF0000, v8;
	v3 =	vshll.u32 v9, $0x10;
	[tilespmem:s19+$0x0] =	vst v1;
	v1 =	vand.u32 $0xFFFF0000, v9  }
.LBB2_8:
0xb1: {  	p1 =	sne.s32 s21, $0x7A80;
	v7 =	vld [tilespmem:s20+$0x1A800];
	[tilespmem:s19+$0x10] =	vst v6  }
0xb2: {  	v6 =	vld [tilespmem:s20+$0x1A770];
	[tilespmem:s19+$0x60] =	vst v4  }
0xb3: {  	v4 =	vld [tilespmem:s20+$0x1A780];
	[tilespmem:s19+$0x20] =	vst v5  }
0xb4: {  	v5 =	vld [tilespmem:s20+$0x1A790];
	[tilespmem:s19+$0x70] =	vst v2  }
0xb5: {  	v2 =	vld [tilespmem:s20+$0x1A7A0];
	[tilespmem:s19+$0x30] =	vst v3  }
0xb6: {  	v3 =	vld [tilespmem:s20+$0x1A7B0];
	v7 =	vshll.u32 v7, $0x10;
	[tilespmem:s19+$0x80] =	vst v1;
	s19 =	sadd.s32 $0x120, s19  }
0xb7: {  	v1 =	vshll.u32 v6, $0x10;
	v6 =	vand.u32 $0xFFFF0000, v6;
	v8 =	vld [tilespmem:s20+$0x1A7C0];
	[tilespmem:s19+$0x40] =	vst v7  }
0xb8: {  	[tilespmem:s19+$0xFFFFFF70] =	vst v1;
	v1 =	vshll.u32 v4, $0x10;
	v4 =	vand.u32 $0xFFFF0000, v4;
	v7 =	vld [tilespmem:s20+$0x1A7D0]  }
0xb9: {  	[tilespmem:s19+$0xFFFFFFC0] =	vst v6;
	v6 =	vshll.u32 v5, $0x10;
	v5 =	vand.u32 $0xFFFF0000, v5;
	v9 =	vld [tilespmem:s20+$0x1A7E0]  }
0xba: {  	[tilespmem:s19+$0xFFFFFF80] =	vst v1;
	v1 =	vshll.u32 v2, $0x10;
	v10 =	vand.u32 $0xFFFF0000, v2;
	v11 =	vld [tilespmem:s20+$0x1A7F0]  }
0xbb: {  	[tilespmem:s19+$0xFFFFFFD0] =	vst v4;
	v12 =	vshll.u32 v3, $0x10  }
0xbc: {  	[tilespmem:s19+$0xFFFFFF90] =	vst v6;
	v13 =	vshll.u32 v8, $0x10;
	v8 =	vand.u32 $0xFFFF0000, v8  }
0xbd: {  	[tilespmem:s19+$0xFFFFFFE0] =	vst v5;
	v6 =	vshll.u32 v7, $0x10;
	v4 =	vand.u32 $0xFFFF0000, v7  }
.Ltmp2:
0xbe: {  	[tilespmem:s19+$0xFFFFFFA0] =	vst v1;
	v5 =	vshll.u32 v9, $0x10;
	v2 =	vand.u32 $0xFFFF0000, v9;
	(pc) =	sbr.rel @p1 .LBB2_8-.Ltmp2, $4  }
0xbf: {  	[tilespmem:s19+$0xFFFFFFF0] =	vst v10;
	v3 =	vshll.u32 v11, $0x10;
	v1 =	vand.u32 $0xFFFF0000, v11  }
0xc0: {  	[tilespmem:s19+$0xFFFFFFB0] =	vst v12  }
0xc1: {  	[tilespmem:s19+$0x0] =	vst v13  }
0xc2: {  	s20 =	sshra.s32 s21, $0x2;
	s21 =	sadd.s32 $0x280, s21;
	[tilespmem:s19+$0x50] =	vst v8  }
0xc3: {  	v7 =	vld [tilespmem:s20+$0x1A800];
	[tilespmem:s19+$0x10] =	vst v6  }
0xc4: {  	v56 =	vld [tilespmem:s20+$0x1A770];
	[tilespmem:s19+$0x60] =	vst v4  }
0xc5: {  	[tilespmem:s19+$0x20] =	vst v5  }
0xc6: {  	v57 =	vld [tilespmem:s20+$0x1A780];
	[tilespmem:s19+$0x70] =	vst v2  }
0xc7: {  	[tilespmem:s19+$0x30] =	vst v3  }
0xc8: {  	v2 =	vld [tilespmem:s20+$0x1A790];
	[tilespmem:s19+$0x80] =	vst v1;
	s21 =	sadd.s32 $0x120, s19;
	v3 =	vshll.u32 v7, $0x10  }
0xc9: {  	v1 =	vshll.u32 v56, $0x10;
	[tilespmem:s21+$0x40] =	vst v3  }
0xca: {  	v59 =	vld [tilespmem:s20+$0x1A7B0];
	v58 =	vand.u32 $0xFFFF0000, v56;
	[tilespmem:s21+$0xFFFFFF70] =	vst v1  }
0xcb: {  	v4 =	vand.u32 $0xFFFF0000, v57;
	v3 =	vld [tilespmem:s20+$0x1A7A0];
	[tilespmem:s21+$0xFFFFFFC0] =	vst v58  }
0xcc: {  	v1 =	vshll.u32 v57, $0x10;
	[tilespmem:s21+$0xFFFFFFD0] =	vst v4  }
0xcd: {  	v60 =	vshll.u32 v2, $0x10;
	[tilespmem:s21+$0xFFFFFF80] =	vst v1;
	v1 =	vld [tilespmem:s20+$0x1A7C0]  }
0xce: {  	v2 =	vand.u32 $0xFFFF0000, v2;
	[tilespmem:s21+$0xFFFFFF90] =	vst v60  }
0xcf: {  	v61 =	vld [tilespmem:s20+$0x1A7D0];
	v5 =	vshll.u32 v59, $0x10;
	[tilespmem:s21+$0xFFFFFFE0] =	vst v2  }
0xd0: {  	[tilespmem:s21+$0xFFFFFFB0] =	vst v5;
	v62 =	vshll.u32 v3, $0x10  }
0xd1: {  	v2 =	vand.u32 $0xFFFF0000, v3;
	v3 =	vld [tilespmem:s20+$0x1A7E0];
	[tilespmem:s21+$0xFFFFFFA0] =	vst v62  }
0xd2: {  	[tilespmem:s21+$0xFFFFFFF0] =	vst v2;
	v2 =	vshll.u32 v1, $0x10  }
0xd3: {  	v63 =	vld [tilespmem:s20+$0x1A7F0];
	v1 =	vand.u32 $0xFFFF0000, v1;
	[tilespmem:s21+$0x0] =	vst v2  }
0xd4: {  	v2 =	vshll.u32 v61, $0x10;
	[tilespmem:s21+$0x50] =	vst v1  }
0xd5: {  	s17 =	sadd.s32 $0x1, s17;
	v1 =	vand.u32 $0xFFFF0000, v61;
	[tilespmem:s21+$0x10] =	vst v2  }
0xd6: {  	p1 =	sne.s32 s17, $0x19;
	[tilespmem:s21+$0x60] =	vst v1;
	v2 =	vshll.u32 v3, $0x10  }
.Ltmp3:
0xd7: {  	v1 =	vand.u32 $0xFFFF0000, v3;
	[tilespmem:s21+$0x20] =	vst v2;
	(pc) =	sbr.rel @p1 .LBB2_5-.Ltmp3, $4  }
0xd8: {  	v2 =	vshll.u32 v63, $0x10;
	[tilespmem:s21+$0x70] =	vst v1  }
0xd9: {  	v1 =	vand.u32 $0xFFFF0000, v63;
	[tilespmem:s21+$0x30] =	vst v2  }
0xda: {  	s18 =	sadd.s32 $0x173E0, s18;
	[tilespmem:s21+$0x80] =	vst v1  }
0xdb: {  	[spmem:s2] =	stream.indirect.scatter.add.f32 [tilespmem:s23], [sflag:$0x3], $0x90, s18, s28, $0xb8;
	[tilespmem:$0x1FEF0] =	vst v63  }
.Ltmp4:
0xdc: {  	(pc) =	sbr.rel @p0 .LBB2_4-.Ltmp4, $4  }
0xdd: {  	_ = 	snop  }
0xde: {  	_ =	swait.ge [sflag:s3], $0x3840  }
0xdf: {  	[sflag:s3] =	ssyncset.done $0x0  }
0xe0: {  	s17 =	simm.s32 $0x32;
	p1 =	por $0x0, $0x0;
	[sflag:s3] =	ssyncadd.s32 $0xFFFFC7C0  }
0xe1: {  	[bflag:$0x0] =	sbarrier.arrive $0xFFFF  }
0xe2: {  	[tilespmem:s23], [sflag:$0x4] =	stream.linear.gather [spmem:s7], $0x3840, $0x38;
	[tilespmem:$0x1FEF0] =	vst v63  }
0xe3: {  	_ =	swait.ge [sflag:s24], $0x3840  }
0xe4: {  	[sflag:s24] =	ssyncset.done $0x0  }
0xe5: {  	s16 =	rddreg [dreg:$0x4];
	[sflag:s24] =	ssyncadd.s32 $0xFFFFC7C0  }
0xe6: {  	[hbm4b:s16+s4] =	stream.linear.scatter [tilespmem:s23], [sflag:$0x4], $0x3840, $0x38;
	[tilespmem:$0x1FEF0] =	vst v63  }
0xe7: {  	_ =	swait.ge [sflag:s24], $0x3840  }
0xe8: {  	[sflag:s24] =	ssyncset.done $0x0  }
0xe9: {  	[sflag:s24] =	ssyncadd.s32 $0xFFFFC7C0  }
0xea: {  	[tilespmem:s23], [sflag:$0x4] =	stream.linear.gather [spmem:s8], $0x3840, $0x38;
	[tilespmem:$0x1FEF0] =	vst v63  }
0xeb: {  	_ =	swait.ge [sflag:s24], $0x3840  }
0xec: {  	[sflag:s24] =	ssyncset.done $0x0  }
0xed: {  	s21 =	rddreg [dreg:$0x5];
	[sflag:s24] =	ssyncadd.s32 $0xFFFFC7C0  }
0xee: {  	[hbm4b:s21+s4] =	stream.linear.scatter [tilespmem:s23], [sflag:$0x4], $0x3840, $0x38;
	[tilespmem:$0x1FEF0] =	vst v63  }
0xef: {  	_ =	swait.ge [sflag:s24], $0x3840  }
0xf0: {  	[sflag:s24] =	ssyncset.done $0x0  }
0xf1: {  	[sflag:s24] =	ssyncadd.s32 $0xFFFFC7C0  }
0xf2: {  	[tilespmem:s23], [sflag:$0x4] =	stream.linear.gather [spmem:s9], $0x3840, $0x38;
	[tilespmem:$0x1FEF0] =	vst v63  }
0xf3: {  	_ =	swait.ge [sflag:s24], $0x3840  }
0xf4: {  	[sflag:s24] =	ssyncset.done $0x0  }
0xf5: {  	s17 =	rddreg [dreg:$0x6];
	[sflag:s24] =	ssyncadd.s32 $0xFFFFC7C0  }
0xf6: {  	[hbm4b:s17+s4] =	stream.linear.scatter [tilespmem:s23], [sflag:$0x4], $0x3840, $0x38;
	[tilespmem:$0x1FEF0] =	vst v63  }
0xf7: {  	_ =	swait.ge [sflag:s24], $0x3840  }
0xf8: {  	[sflag:s24] =	ssyncset.done $0x0  }
0xf9: {  	[sflag:s24] =	ssyncadd.s32 $0xFFFFC7C0  }
0xfa: {  	[tilespmem:s23], [sflag:$0x4] =	stream.linear.gather [spmem:s10], $0x3840, $0x38;
	[tilespmem:$0x1FEF0] =	vst v63  }
0xfb: {  	_ =	swait.ge [sflag:s24], $0x3840  }
0xfc: {  	[sflag:s24] =	ssyncset.done $0x0  }
0xfd: {  	s18 =	rddreg [dreg:$0x7];
	[sflag:s24] =	ssyncadd.s32 $0xFFFFC7C0  }
0xfe: {  	[hbm4b:s18+s4] =	stream.linear.scatter [tilespmem:s23], [sflag:$0x4], $0x3840, $0x38;
	[tilespmem:$0x1FEF0] =	vst v63  }
0xff: {  	_ =	swait.ge [sflag:s24], $0x3840  }
0x100: {  	[sflag:s24] =	ssyncset.done $0x0  }
0x101: {  	[sflag:s24] =	ssyncadd.s32 $0xFFFFC7C0  }
0x102: {  	[tilespmem:s23], [sflag:$0x4] =	stream.linear.gather [spmem:s11], $0x3840, $0x38;
	[tilespmem:$0x1FEF0] =	vst v63  }
0x103: {  	_ =	swait.ge [sflag:s24], $0x3840  }
0x104: {  	[sflag:s24] =	ssyncset.done $0x0  }
0x105: {  	s19 =	rddreg [dreg:$0x8];
	[sflag:s24] =	ssyncadd.s32 $0xFFFFC7C0  }
0x106: {  	[hbm4b:s19+s4] =	stream.linear.scatter [tilespmem:s23], [sflag:$0x4], $0x3840, $0x38;
	[tilespmem:$0x1FEF0] =	vst v63  }
0x107: {  	_ =	swait.ge [sflag:s24], $0x3840  }
0x108: {  	[sflag:s24] =	ssyncset.done $0x0  }
0x109: {  	[sflag:s24] =	ssyncadd.s32 $0xFFFFC7C0  }
0x10a: {  	[tilespmem:s23], [sflag:$0x4] =	stream.linear.gather [spmem:s12], $0x3840, $0x38;
	[tilespmem:$0x1FEF0] =	vst v63  }
0x10b: {  	_ =	swait.ge [sflag:s24], $0x3840  }
0x10c: {  	[sflag:s24] =	ssyncset.done $0x0  }
0x10d: {  	s20 =	rddreg [dreg:$0x9];
	[sflag:s24] =	ssyncadd.s32 $0xFFFFC7C0  }
0x10e: {  	[hbm4b:s20+s4] =	stream.linear.scatter [tilespmem:s23], [sflag:$0x4], $0x3840, $0x38;
	[tilespmem:$0x1FEF0] =	vst v63  }
0x10f: {  	_ =	swait.ge [sflag:s24], $0x3840  }
0x110: {  	[sflag:s24] =	ssyncset.done $0x0  }
0x111: {  	[sflag:s24] =	ssyncadd.s32 $0xFFFFC7C0  }
0x112: {  	[tilespmem:s23], [sflag:$0x4] =	stream.linear.gather [spmem:s13], $0xE10, $0x38;
	[tilespmem:$0x1FEF0] =	vst v63  }
0x113: {  	s15 =	sadd.s32 $0x1, s15;
	_ =	swait.ge [sflag:s24], $0xE10  }
0x114: {  	p0 =	sne.s32 s15, s22;
	[sflag:s24] =	ssyncset.done $0x0  }
.Ltmp5:
0x115: {  	s21 =	rddreg [dreg:$0xa];
	[sflag:s24] =	ssyncadd.s32 $0xFFFFF1F0;
	(pc) =	sbr.rel @p0 .LBB2_1-.Ltmp5, $4  }
0x116: {  	[hbm4b:s21+s4] =	stream.linear.scatter [tilespmem:s23], [sflag:$0x4], $0xE10, $0x38;
	[tilespmem:$0x1FEF0] =	vst v63  }
0x117: {  	_ =	swait.ge [sflag:s24], $0xE10  }
0x118: {  	[sflag:s24] =	ssyncset.done $0x0  }
0x119: {  	[sflag:s24] =	ssyncadd.s32 $0xFFFFF1F0  }
0x11a: {  	_ =	sfence.sel $0x180000  }
0x11b: {  	[bflag:$0x0] =	sbarrier.arrive $0xFFFF  }
0x11c: {  	_ =	strace $0x90000047  }
0x11d: {  	s0 =	stileid.u32;
	[bflag:$0x2] =	sbarrier.arrive $0xFFFF  }
0x11e: {  	p0 =	sne.s32 s0, $0x0;
	s0 =	rddreg [dreg:$0x3]  }
0x11f: {  	s0 =	sadd.s32 @!p0 $0x100000, s0  }
0x120: {  	[sflag:s0] =	ssyncadd.tile.s32 @!p0 $0x1;
	_ =	shalt  }
.Lfunc_end2:
_tile_overlayer_lowered:
.L_overlay_start_2:
0x121: {  	(tag) =	ssettag $0x2  }
0x122: {  	s0 =	rddreg [dreg:$0x0];
	s2 =	stileid.u32  }
0x123: {  	s1 =	rddreg [dreg:$0x1];
	p0 =	sne.s32 s2, $0x0  }
0x124: {  	s3 =	rddreg [dreg:$0x2];
	[bflag:$0x3] =	sbarrier.arrive $0xFFFF;
	s2 =	simm.s32 @!p0 $0x1C01  }
0x125: {  	[timem:s3], [sflag:s2] =	dma.local @!p0 [hbm:s0], s1  }
0x126: {  	s0 =	simm.s32 @!p0 $0x1  }
0x127: {  	_ =	swait.ge @!p0 [sflag:s0], s1  }
0x128: {  	s1 =	ssub.s32 @!p0 $0x0, s1;
	[sflag:s0] =	ssyncset.done @!p0 $0x0  }
0x129: {  	[sflag:s0] =	ssyncadd.s32 @!p0 s1  }
0x12a: {  	[bflag:$0x3] =	sbarrier.arrive $0xFFFF  }
0x12b: {  	_ =	shalt  }

</sc_bundles>
